<compile_context>
chip_gen: v7x
topology: tpu7x:2x2x1
jax: 0.10.2.dev20260603
libtpu: 0.0.44.dev20260713+nightly
codegen_flags: <defaults>
</compile_context>

<pallas_src>
import functools

import jax
import jax.numpy as jnp
from jax import lax
from jax.experimental import pallas as pl
from jax.experimental.pallas import tpu as pltpu
from jax.experimental.pallas import tpu_sc as plsc

N_NODES = 10000
N_EDGES = 320000
D = 128
NCLS = 2

NC, NS = 2, 16
NW = NC * NS
CHUNK = 128
NCHUNK = -(-N_EDGES // (NW * CHUNK))
EP = NW * CHUNK * NCHUNK
NPAD = 10240
DUMMY = N_NODES + 8
RPS = NPAD // NS

BLK = 1024
GRID = NPAD // BLK


@functools.cache
def _get_sc_count():
    mesh = plsc.VectorSubcoreMesh(
        core_axis_name="c", subcore_axis_name="s", num_cores=NC, num_subcores=NS)
    return functools.partial(
        pl.kernel,
        out_type=jax.ShapeDtypeStruct((NC * NPAD, D), jnp.float32),
        mesh=mesh,
        scratch_types=[
            pltpu.VMEM((NCHUNK, CHUNK), jnp.int32),
            pltpu.VMEM((CHUNK, D), jnp.float32),
            pltpu.VMEM_SHARED((NPAD, D), jnp.float32),
        ],
    )(_sc_count_body)


def _sc_count_body(dst_hbm, z_hbm, ones_hbm, out_hbm, dst_v, ones_v, acc_sh):
    c = lax.axis_index("c")
    s = lax.axis_index("s")
    wid = c * NS + s
    pltpu.sync_copy(z_hbm.at[pl.ds(s * RPS, RPS)], acc_sh.at[pl.ds(s * RPS, RPS)])
    pltpu.sync_copy(ones_hbm, ones_v)
    pltpu.sync_copy(dst_hbm.at[wid], dst_v)
    plsc.subcore_barrier()

    @pl.loop(0, NCHUNK)
    def _(j):
        pltpu.sync_copy(ones_v, acc_sh.at[dst_v.at[j]], add=True)

    plsc.subcore_barrier()
    pltpu.sync_copy(acc_sh.at[pl.ds(s * RPS, RPS)],
                    out_hbm.at[pl.ds(c * NPAD + s * RPS, RPS)])


@functools.cache
def _get_sc_segsum():
    mesh = plsc.VectorSubcoreMesh(
        core_axis_name="c", subcore_axis_name="s", num_cores=NC, num_subcores=NS)
    return functools.partial(
        pl.kernel,
        out_type=jax.ShapeDtypeStruct((NC * NPAD, D), jnp.float32),
        mesh=mesh,
        scratch_types=[
            pltpu.VMEM((NCHUNK, CHUNK), jnp.int32),
            pltpu.VMEM((NCHUNK, CHUNK), jnp.int32),
            pltpu.VMEM((CHUNK, D), jnp.float32),
            pltpu.VMEM_SHARED((NPAD, D), jnp.float32),
        ],
    )(_sc_segsum_body)


def _sc_segsum_body(g_hbm, src_hbm, dst_hbm, z_hbm, out_hbm,
                    src_v, dst_v, rows_v, acc_sh):
    c = lax.axis_index("c")
    s = lax.axis_index("s")
    wid = c * NS + s
    pltpu.sync_copy(z_hbm.at[pl.ds(s * RPS, RPS)], acc_sh.at[pl.ds(s * RPS, RPS)])
    pltpu.sync_copy(src_hbm.at[wid], src_v)
    pltpu.sync_copy(dst_hbm.at[wid], dst_v)
    plsc.subcore_barrier()

    @pl.loop(0, NCHUNK)
    def _(j):
        pltpu.sync_copy(g_hbm.at[src_v.at[j]], rows_v)
        pltpu.sync_copy(rows_v, acc_sh.at[dst_v.at[j]], add=True)

    plsc.subcore_barrier()
    pltpu.sync_copy(acc_sh.at[pl.ds(s * RPS, RPS)],
                    out_hbm.at[pl.ds(c * NPAD + s * RPS, RPS)])



def _mm_body(x_ref, w_ref, o_ref):
    o_ref[...] = jnp.dot(x_ref[...], w_ref[...], preferred_element_type=jnp.float32)


def _mm(x, w):
    return pl.pallas_call(
        _mm_body,
        grid=(GRID,),
        in_specs=[pl.BlockSpec((BLK, D), lambda i: (i, 0)),
                  pl.BlockSpec((D, D), lambda i: (0, 0))],
        out_specs=pl.BlockSpec((BLK, D), lambda i: (i, 0)),
        out_shape=jax.ShapeDtypeStruct((NPAD, D), jnp.float32),
    )(x, w)


def _prep_body(cnt_ref, h_ref, g_ref, dinv_ref):
    deg = cnt_ref[0, :, 0:1] + cnt_ref[1, :, 0:1] + 1.0
    dinv = lax.rsqrt(deg)
    dinv_ref[...] = dinv
    g_ref[...] = h_ref[...] * dinv


def _prep(cnt, h):
    return pl.pallas_call(
        _prep_body,
        grid=(GRID,),
        in_specs=[pl.BlockSpec((NC, BLK, D), lambda i: (0, i, 0)),
                  pl.BlockSpec((BLK, D), lambda i: (i, 0))],
        out_specs=[pl.BlockSpec((BLK, D), lambda i: (i, 0)),
                   pl.BlockSpec((BLK, 1), lambda i: (i, 0))],
        out_shape=[jax.ShapeDtypeStruct((NPAD, D), jnp.float32),
                   jax.ShapeDtypeStruct((NPAD, 1), jnp.float32)],
    )(cnt, h)


def _layer2_body(acc_ref, g_ref, dinv_ref, b_ref, w_ref, o_ref):
    t = dinv_ref[...] * (acc_ref[0] + acc_ref[1] + g_ref[...]) + b_ref[...]
    u = jnp.where(t >= 0, t, 0.03 * t)
    h2 = jnp.dot(u, w_ref[...], preferred_element_type=jnp.float32)
    o_ref[...] = h2 * dinv_ref[...]


def _layer2(acc, g, dinv, b, w):
    return pl.pallas_call(
        _layer2_body,
        grid=(GRID,),
        in_specs=[pl.BlockSpec((NC, BLK, D), lambda i: (0, i, 0)),
                  pl.BlockSpec((BLK, D), lambda i: (i, 0)),
                  pl.BlockSpec((BLK, 1), lambda i: (i, 0)),
                  pl.BlockSpec((1, D), lambda i: (0, 0)),
                  pl.BlockSpec((D, D), lambda i: (0, 0))],
        out_specs=pl.BlockSpec((BLK, D), lambda i: (i, 0)),
        out_shape=jax.ShapeDtypeStruct((NPAD, D), jnp.float32),
    )(acc, g, dinv, b, w)


def _pool_body(acc_ref, g_ref, dinv_ref, b_ref, wl_ref, bl_ref, o_ref, s_ref):
    i = pl.program_id(0)
    t = dinv_ref[...] * (acc_ref[0] + acc_ref[1] + g_ref[...]) + b_ref[...]
    v = jnp.where(t >= 0, t, 0.03 * t)
    rows = i * BLK + lax.broadcasted_iota(jnp.int32, (BLK, 1), 0)
    v = jnp.where(rows < N_NODES, v, 0.0)
    ps = jnp.sum(v, axis=0, keepdims=True)

    @pl.when(i == 0)
    def _():
        s_ref[...] = ps

    @pl.when(i > 0)
    def _():
        s_ref[...] = s_ref[...] + ps

    @pl.when(i == pl.num_programs(0) - 1)
    def _():
        o_ref[...] = (jnp.dot(s_ref[...] * (1.0 / N_NODES), wl_ref[...],
                              preferred_element_type=jnp.float32)
                      + bl_ref[...])


def _pool(acc, g, dinv, b, wl, bl):
    return pl.pallas_call(
        _pool_body,
        grid=(GRID,),
        in_specs=[pl.BlockSpec((NC, BLK, D), lambda i: (0, i, 0)),
                  pl.BlockSpec((BLK, D), lambda i: (i, 0)),
                  pl.BlockSpec((BLK, 1), lambda i: (i, 0)),
                  pl.BlockSpec((1, D), lambda i: (0, 0)),
                  pl.BlockSpec((D, NCLS), lambda i: (0, 0)),
                  pl.BlockSpec((1, NCLS), lambda i: (0, 0))],
        out_specs=pl.BlockSpec((1, NCLS), lambda i: (0, 0)),
        out_shape=jax.ShapeDtypeStruct((1, NCLS), jnp.float32),
        scratch_shapes=[pltpu.VMEM((1, D), jnp.float32)],
    )(acc, g, dinv, b, wl, bl)



def kernel(x, edge_index, W1, b1, W2, b2, Wl, bl):
    src = edge_index[0].astype(jnp.int32)
    dst = edge_index[1].astype(jnp.int32)
    pad = EP - N_EDGES
    src_p = jnp.concatenate([src, jnp.zeros((pad,), jnp.int32)]).reshape(NW, NCHUNK, CHUNK)
    dst_p = jnp.concatenate([dst, jnp.full((pad,), DUMMY, jnp.int32)]).reshape(NW, NCHUNK, CHUNK)
    xp = jnp.zeros((NPAD, D), jnp.float32).at[:N_NODES].set(x)
    z128 = jnp.zeros((NPAD, D), jnp.float32)
    ones128 = jnp.ones((CHUNK, D), jnp.float32)

    cnt = _get_sc_count()(dst_p, z128, ones128).reshape(NC, NPAD, D)
    h1 = _mm(xp, W1)
    g1, dinv = _prep(cnt, h1)
    acc1 = _get_sc_segsum()(g1, src_p, dst_p, z128).reshape(NC, NPAD, D)
    g2 = _layer2(acc1, g1, dinv, b1.reshape(1, D), W2)
    acc2 = _get_sc_segsum()(g2, src_p, dst_p, z128).reshape(NC, NPAD, D)
    return _pool(acc2, g2, dinv, b2.reshape(1, D), Wl, bl.reshape(1, NCLS))

# --- scband reference (transcript-rebuilt; emitter-appended) ---
"""Pipeline reference for scband-gcn-80307298501189 (READ-ONLY COPY).

The authoritative reference and input builder live on the scoring server;
editing this copy changes nothing except your own understanding.
"""

import jax, jax.numpy as jnp
import numpy as np

N_NODES = 10000
N_EDGES = 320000
D = 128
NUM_CLASSES = 2

def setup_inputs(seed: int = 0) -> dict:
    key = jax.random.key(seed)
    ks = jax.random.split(key, 8)
    x = jax.random.normal(ks[0], (N_NODES, D), dtype=jnp.float32)
    edge_index = jax.random.randint(ks[1], (2, N_EDGES), 0, N_NODES, dtype=jnp.int64)
    W1 = jax.random.normal(ks[2], (D, D), dtype=jnp.float32) * (1.0 / np.sqrt(D))
    b1 = jnp.zeros((D,), dtype=jnp.float32)
    W2 = jax.random.normal(ks[3], (D, D), dtype=jnp.float32) * (1.0 / np.sqrt(D))
    b2 = jnp.zeros((D,), dtype=jnp.float32)
    Wl = jax.random.normal(ks[4], (D, NUM_CLASSES), dtype=jnp.float32) * (1.0 / np.sqrt(D))
    bl = jnp.zeros((NUM_CLASSES,), dtype=jnp.float32)
    return {"x": x, "edge_index": edge_index, "W1": W1, "b1": b1, "W2": W2, "b2": b2, "Wl": Wl, "bl": bl}

def _gcn_conv(x, edge_index, W, b, num_nodes):
    # linear transform
    x = x @ W
    # add self loops
    loop = jnp.arange(num_nodes, dtype=edge_index.dtype)
    src = jnp.concatenate([edge_index[0], loop])
    dst = jnp.concatenate([edge_index[1], loop])
    # symmetric normalization D^{-1/2} (A+I) D^{-1/2}
    ones = jnp.ones(src.shape[0], dtype=x.dtype)
    deg = jax.ops.segment_sum(ones, dst, num_segments=num_nodes)
    deg_inv_sqrt = jnp.where(deg > 0, deg ** -0.5, 0.0)
    norm = deg_inv_sqrt[src] * deg_inv_sqrt[dst]
    msgs = x[src] * norm[:, None]
    out = jax.ops.segment_sum(msgs, dst, num_segments=num_nodes)
    return out + b

def _leaky(x):
    return jnp.where(x >= 0, x, 0.03 * x)

def reference(x, edge_index, W1, b1, W2, b2, Wl, bl):
    n = x.shape[0]
    h = _gcn_conv(x, edge_index, W1, b1, n)
    h = _leaky(h)
    h = _gcn_conv(h, edge_index, W2, b2, n)
    h = _leaky(h)
    # global_mean_pool with batch=None -> mean over all nodes, single graph
    g = jnp.mean(h, axis=0, keepdims=True)
    # dropout is identity in eval mode
    out = g @ Wl + bl
    return out

if __name__ == "__main__":
    import jax
    _d = setup_inputs()
    print(jax.jit(kernel)(*tuple(_d.values())))

</pallas_src>

<mosaic_0001>
#map = affine_map<(d0, d1) -> (0, 0)>
#map1 = affine_map<(d0, d1) -> (0, 0, 0)>
module attributes {stable_mosaic.version = 14 : i64} {
  func.func @_sc_segsum_body(%arg0: i32, %arg1: i32, %arg2: memref<10240x128xf32, #tpu.memory_space<hbm>>, %arg3: memref<32x79x128xi32, #tpu.memory_space<hbm>>, %arg4: memref<32x79x128xi32, #tpu.memory_space<hbm>>, %arg5: memref<10240x128xf32, #tpu.memory_space<hbm>>, %arg6: memref<20480x128xf32, #tpu.memory_space<hbm>>, %arg7: memref<79x128xi32, #tpu.memory_space<vmem>>, %arg8: memref<79x128xi32, #tpu.memory_space<vmem>>, %arg9: memref<128x128xf32, #tpu.memory_space<vmem>>, %arg10: memref<10240x128xf32, #tpu.memory_space<vmem_shared>>) attributes {dimension_semantics = [#tpu.dimension_semantics<core_parallel>, #tpu.dimension_semantics<subcore_parallel>], iteration_bounds = array<i64: 2, 16>, scalar_prefetch = 0 : i64, scratch_operands = 4 : i64, tpu.core_type = #tpu.core_type<sc_vector_subcore>, window_params = [{transform_indices = #map}, {transform_indices = #map1}, {transform_indices = #map1}, {transform_indices = #map}, {transform_indices = #map}]} {
    %mul3A = arith.constant 16 : i32
    %mul3A_0 = arith.muli %arg0, %mul3A : i32
    %add3A = arith.addi %mul3A_0, %arg1 : i32
    %mul3A_1 = arith.constant 640 : i32
    %mul3A_2 = arith.muli %arg1, %mul3A_1 : i32
    %mul3A_3 = arith.constant 640 : i32
    %mul3A_4 = arith.muli %arg1, %mul3A_3 : i32
    "tpu.region"() ({
      %run_scoped3A = tpu.sem_alloc : memref<!tpu.dma_semaphore, #tpu.memory_space<semaphore_mem>>
      %dma_start3A = arith.constant 0 : i32
      %dma_start3A_17 = tpu.memref_slice %arg10[%mul3A_4, %dma_start3A] : memref<10240x128xf32, #tpu.memory_space<vmem_shared>> -> memref<640x128xf32, #tpu.memory_space<vmem_shared>>
      %dma_start3A_18 = arith.constant 0 : i32
      %dma_start3A_19 = tpu.memref_slice %arg5[%mul3A_2, %dma_start3A_18] : memref<10240x128xf32, #tpu.memory_space<hbm>> -> memref<640x128xf32, #tpu.memory_space<hbm>>
      tpu.enqueue_dma source(%dma_start3A_19 : memref<640x128xf32, #tpu.memory_space<hbm>>) target(%dma_start3A_17 : memref<640x128xf32, #tpu.memory_space<vmem_shared>>) target_semaphore(%run_scoped3A : memref<!tpu.dma_semaphore, #tpu.memory_space<semaphore_mem>>)
      %dma_wait3A = arith.constant 0 : i32
      %dma_wait3A_20 = tpu.memref_slice %arg10[%mul3A_4, %dma_wait3A] : memref<10240x128xf32, #tpu.memory_space<vmem_shared>> -> memref<640x128xf32, #tpu.memory_space<vmem_shared>>
      %dma_wait3A_21 = arith.constant 0 : i32
      %dma_wait3A_22 = tpu.memref_slice %arg5[%mul3A_2, %dma_wait3A_21] : memref<10240x128xf32, #tpu.memory_space<hbm>> -> memref<640x128xf32, #tpu.memory_space<hbm>>
      tpu.wait_dma2 semaphore(%run_scoped3A : memref<!tpu.dma_semaphore, #tpu.memory_space<semaphore_mem>>) src(%dma_wait3A_22 : memref<640x128xf32, #tpu.memory_space<hbm>>) dst(%dma_wait3A_20 : memref<640x128xf32, #tpu.memory_space<vmem_shared>>)
      tpu.yield
    }) : () -> ()
    "tpu.region"() ({
      %run_scoped3A = tpu.sem_alloc : memref<!tpu.dma_semaphore, #tpu.memory_space<semaphore_mem>>
      %dma_start3A = arith.constant 0 : i32
      %dma_start3A_17 = arith.constant 0 : i32
      %dma_start3A_18 = tpu.memref_slice %arg3[%add3A, %dma_start3A, %dma_start3A_17] : memref<32x79x128xi32, #tpu.memory_space<hbm>> -> memref<1x79x128xi32, #tpu.memory_space<hbm>>
      %dma_start3A_19 = tpu.memref_squeeze %dma_start3A_18 : memref<1x79x128xi32, #tpu.memory_space<hbm>> -> memref<79x128xi32, #tpu.memory_space<hbm>>
      %dma_start3A_20 = arith.constant 0 : i32
      %dma_start3A_21 = arith.constant 0 : i32
      %dma_start3A_22 = tpu.memref_slice %arg3[%add3A, %dma_start3A_20, %dma_start3A_21] : memref<32x79x128xi32, #tpu.memory_space<hbm>> -> memref<1x79x128xi32, #tpu.memory_space<hbm>>
      %dma_start3A_23 = tpu.memref_squeeze %dma_start3A_22 : memref<1x79x128xi32, #tpu.memory_space<hbm>> -> memref<79x128xi32, #tpu.memory_space<hbm>>
      tpu.enqueue_dma source(%dma_start3A_23 : memref<79x128xi32, #tpu.memory_space<hbm>>) target(%arg7 : memref<79x128xi32, #tpu.memory_space<vmem>>) target_semaphore(%run_scoped3A : memref<!tpu.dma_semaphore, #tpu.memory_space<semaphore_mem>>)
      %dma_wait3A = arith.constant 0 : i32
      %dma_wait3A_24 = arith.constant 0 : i32
      %dma_wait3A_25 = tpu.memref_slice %arg3[%add3A, %dma_wait3A, %dma_wait3A_24] : memref<32x79x128xi32, #tpu.memory_space<hbm>> -> memref<1x79x128xi32, #tpu.memory_space<hbm>>
      %dma_wait3A_26 = tpu.memref_squeeze %dma_wait3A_25 : memref<1x79x128xi32, #tpu.memory_space<hbm>> -> memref<79x128xi32, #tpu.memory_space<hbm>>
      %dma_wait3A_27 = arith.constant 0 : i32
      %dma_wait3A_28 = arith.constant 0 : i32
      %dma_wait3A_29 = tpu.memref_slice %arg3[%add3A, %dma_wait3A_27, %dma_wait3A_28] : memref<32x79x128xi32, #tpu.memory_space<hbm>> -> memref<1x79x128xi32, #tpu.memory_space<hbm>>
      %dma_wait3A_30 = tpu.memref_squeeze %dma_wait3A_29 : memref<1x79x128xi32, #tpu.memory_space<hbm>> -> memref<79x128xi32, #tpu.memory_space<hbm>>
      tpu.wait_dma2 semaphore(%run_scoped3A : memref<!tpu.dma_semaphore, #tpu.memory_space<semaphore_mem>>) src(%dma_wait3A_30 : memref<79x128xi32, #tpu.memory_space<hbm>>) dst(%arg7 : memref<79x128xi32, #tpu.memory_space<vmem>>)
      tpu.yield
    }) : () -> ()
    "tpu.region"() ({
      %run_scoped3A = tpu.sem_alloc : memref<!tpu.dma_semaphore, #tpu.memory_space<semaphore_mem>>
      %dma_start3A = arith.constant 0 : i32
      %dma_start3A_17 = arith.constant 0 : i32
      %dma_start3A_18 = tpu.memref_slice %arg4[%add3A, %dma_start3A, %dma_start3A_17] : memref<32x79x128xi32, #tpu.memory_space<hbm>> -> memref<1x79x128xi32, #tpu.memory_space<hbm>>
      %dma_start3A_19 = tpu.memref_squeeze %dma_start3A_18 : memref<1x79x128xi32, #tpu.memory_space<hbm>> -> memref<79x128xi32, #tpu.memory_space<hbm>>
      %dma_start3A_20 = arith.constant 0 : i32
      %dma_start3A_21 = arith.constant 0 : i32
      %dma_start3A_22 = tpu.memref_slice %arg4[%add3A, %dma_start3A_20, %dma_start3A_21] : memref<32x79x128xi32, #tpu.memory_space<hbm>> -> memref<1x79x128xi32, #tpu.memory_space<hbm>>
      %dma_start3A_23 = tpu.memref_squeeze %dma_start3A_22 : memref<1x79x128xi32, #tpu.memory_space<hbm>> -> memref<79x128xi32, #tpu.memory_space<hbm>>
      tpu.enqueue_dma source(%dma_start3A_23 : memref<79x128xi32, #tpu.memory_space<hbm>>) target(%arg8 : memref<79x128xi32, #tpu.memory_space<vmem>>) target_semaphore(%run_scoped3A : memref<!tpu.dma_semaphore, #tpu.memory_space<semaphore_mem>>)
      %dma_wait3A = arith.constant 0 : i32
      %dma_wait3A_24 = arith.constant 0 : i32
      %dma_wait3A_25 = tpu.memref_slice %arg4[%add3A, %dma_wait3A, %dma_wait3A_24] : memref<32x79x128xi32, #tpu.memory_space<hbm>> -> memref<1x79x128xi32, #tpu.memory_space<hbm>>
      %dma_wait3A_26 = tpu.memref_squeeze %dma_wait3A_25 : memref<1x79x128xi32, #tpu.memory_space<hbm>> -> memref<79x128xi32, #tpu.memory_space<hbm>>
      %dma_wait3A_27 = arith.constant 0 : i32
      %dma_wait3A_28 = arith.constant 0 : i32
      %dma_wait3A_29 = tpu.memref_slice %arg4[%add3A, %dma_wait3A_27, %dma_wait3A_28] : memref<32x79x128xi32, #tpu.memory_space<hbm>> -> memref<1x79x128xi32, #tpu.memory_space<hbm>>
      %dma_wait3A_30 = tpu.memref_squeeze %dma_wait3A_29 : memref<1x79x128xi32, #tpu.memory_space<hbm>> -> memref<79x128xi32, #tpu.memory_space<hbm>>
      tpu.wait_dma2 semaphore(%run_scoped3A : memref<!tpu.dma_semaphore, #tpu.memory_space<semaphore_mem>>) src(%dma_wait3A_30 : memref<79x128xi32, #tpu.memory_space<hbm>>) dst(%arg8 : memref<79x128xi32, #tpu.memory_space<vmem>>)
      tpu.yield
    }) : () -> ()
    %barrier3A = arith.constant 0 : index
    tpu.barrier barrier_id(%barrier3A)
    %scan3A = arith.constant 0 : i32
    %scan3A_5 = arith.constant 79 : i32
    %scan3A_6 = arith.addi %scan3A, %scan3A_5 : i32
    %scan3A_7 = arith.constant 1 : i32
    scf.for %scan3A_17 = %scan3A to %scan3A_6 step %scan3A_7  : i32 {
      %mul3A_18 = arith.constant 1 : i32
      %mul3A_19 = arith.muli %scan3A_17, %mul3A_18 : i32
      %add3A_20 = arith.constant 0 : i32
      %add3A_21 = arith.addi %add3A_20, %mul3A_19 : i32
      "tpu.region"() ({
        %run_scoped3A = tpu.sem_alloc : memref<!tpu.dma_semaphore, #tpu.memory_space<semaphore_mem>>
        %dma_start3A = arith.constant 0 : i32
        %dma_start3A_22 = tpu.memref_slice %arg7[%add3A_21, %dma_start3A] : memref<79x128xi32, #tpu.memory_space<vmem>> -> memref<1x128xi32, #tpu.memory_space<vmem>>
        %dma_start3A_23 = tpu.memref_squeeze %dma_start3A_22 : memref<1x128xi32, #tpu.memory_space<vmem>> -> memref<128xi32, #tpu.memory_space<vmem>>
        %dma_start3A_24 = arith.constant 0 : i32
        %dma_start3A_25 = arith.constant 0 : i32
        %dma_start3A_26 = tpu.memref_slice %arg2[%dma_start3A_24, %dma_start3A_25] : memref<10240x128xf32, #tpu.memory_space<hbm>> -> memref<10240x128xf32, #tpu.memory_space<hbm>>
        tpu.enqueue_indirect_dma source(%dma_start3A_26 : memref<10240x128xf32, #tpu.memory_space<hbm>>) target(%arg9 : memref<128x128xf32, #tpu.memory_space<vmem>>) offsets(%dma_start3A_23 : memref<128xi32, #tpu.memory_space<vmem>>) semaphore(%run_scoped3A : memref<!tpu.dma_semaphore, #tpu.memory_space<semaphore_mem>>)
        %dma_wait3A = arith.constant 0 : i32
        %dma_wait3A_27 = tpu.memref_slice %arg7[%add3A_21, %dma_wait3A] : memref<79x128xi32, #tpu.memory_space<vmem>> -> memref<1x128xi32, #tpu.memory_space<vmem>>
        %dma_wait3A_28 = tpu.memref_squeeze %dma_wait3A_27 : memref<1x128xi32, #tpu.memory_space<vmem>> -> memref<128xi32, #tpu.memory_space<vmem>>
        %dma_wait3A_29 = arith.constant 0 : i32
        %dma_wait3A_30 = arith.constant 0 : i32
        %dma_wait3A_31 = tpu.memref_slice %arg2[%dma_wait3A_29, %dma_wait3A_30] : memref<10240x128xf32, #tpu.memory_space<hbm>> -> memref<10240x128xf32, #tpu.memory_space<hbm>>
        tpu.wait_indirect_dma semaphore(%run_scoped3A : memref<!tpu.dma_semaphore, #tpu.memory_space<semaphore_mem>>) src(%dma_wait3A_31 : memref<10240x128xf32, #tpu.memory_space<hbm>>) dst(%arg9 : memref<128x128xf32, #tpu.memory_space<vmem>>)
        tpu.yield
      }) : () -> ()
      "tpu.region"() ({
        %run_scoped3A = tpu.sem_alloc : memref<!tpu.dma_semaphore, #tpu.memory_space<semaphore_mem>>
        %dma_start3A = arith.constant 0 : i32
        %dma_start3A_22 = tpu.memref_slice %arg8[%add3A_21, %dma_start3A] : memref<79x128xi32, #tpu.memory_space<vmem>> -> memref<1x128xi32, #tpu.memory_space<vmem>>
        %dma_start3A_23 = tpu.memref_squeeze %dma_start3A_22 : memref<1x128xi32, #tpu.memory_space<vmem>> -> memref<128xi32, #tpu.memory_space<vmem>>
        %dma_start3A_24 = arith.constant 0 : i32
        %dma_start3A_25 = arith.constant 0 : i32
        %dma_start3A_26 = tpu.memref_slice %arg10[%dma_start3A_24, %dma_start3A_25] : memref<10240x128xf32, #tpu.memory_space<vmem_shared>> -> memref<10240x128xf32, #tpu.memory_space<vmem_shared>>
        tpu.enqueue_indirect_dma source(%arg9 : memref<128x128xf32, #tpu.memory_space<vmem>>) target(%dma_start3A_26 : memref<10240x128xf32, #tpu.memory_space<vmem_shared>>) offsets(%dma_start3A_23 : memref<128xi32, #tpu.memory_space<vmem>>) semaphore(%run_scoped3A : memref<!tpu.dma_semaphore, #tpu.memory_space<semaphore_mem>>) {add = true}
        %dma_wait3A = arith.constant 0 : i32
        %dma_wait3A_27 = tpu.memref_slice %arg8[%add3A_21, %dma_wait3A] : memref<79x128xi32, #tpu.memory_space<vmem>> -> memref<1x128xi32, #tpu.memory_space<vmem>>
        %dma_wait3A_28 = tpu.memref_squeeze %dma_wait3A_27 : memref<1x128xi32, #tpu.memory_space<vmem>> -> memref<128xi32, #tpu.memory_space<vmem>>
        %dma_wait3A_29 = arith.constant 0 : i32
        %dma_wait3A_30 = arith.constant 0 : i32
        %dma_wait3A_31 = tpu.memref_slice %arg10[%dma_wait3A_29, %dma_wait3A_30] : memref<10240x128xf32, #tpu.memory_space<vmem_shared>> -> memref<10240x128xf32, #tpu.memory_space<vmem_shared>>
        tpu.wait_indirect_dma semaphore(%run_scoped3A : memref<!tpu.dma_semaphore, #tpu.memory_space<semaphore_mem>>) src(%arg9 : memref<128x128xf32, #tpu.memory_space<vmem>>) dst(%dma_wait3A_31 : memref<10240x128xf32, #tpu.memory_space<vmem_shared>>)
        tpu.yield
      }) : () -> ()
    }
    %scan3A_8 = arith.constant 79 : i32
    %barrier3A_9 = arith.constant 0 : index
    tpu.barrier barrier_id(%barrier3A_9)
    %mul3A_10 = arith.constant 640 : i32
    %mul3A_11 = arith.muli %arg1, %mul3A_10 : i32
    %mul3A_12 = arith.constant 10240 : i32
    %mul3A_13 = arith.muli %arg0, %mul3A_12 : i32
    %mul3A_14 = arith.constant 640 : i32
    %mul3A_15 = arith.muli %arg1, %mul3A_14 : i32
    %add3A_16 = arith.addi %mul3A_13, %mul3A_15 : i32
    "tpu.region"() ({
      %run_scoped3A = tpu.sem_alloc : memref<!tpu.dma_semaphore, #tpu.memory_space<semaphore_mem>>
      %dma_start3A = arith.constant 0 : i32
      %dma_start3A_17 = tpu.memref_slice %arg6[%add3A_16, %dma_start3A] : memref<20480x128xf32, #tpu.memory_space<hbm>> -> memref<640x128xf32, #tpu.memory_space<hbm>>
      %dma_start3A_18 = arith.constant 0 : i32
      %dma_start3A_19 = tpu.memref_slice %arg10[%mul3A_11, %dma_start3A_18] : memref<10240x128xf32, #tpu.memory_space<vmem_shared>> -> memref<640x128xf32, #tpu.memory_space<vmem_shared>>
      tpu.enqueue_dma source(%dma_start3A_19 : memref<640x128xf32, #tpu.memory_space<vmem_shared>>) target(%dma_start3A_17 : memref<640x128xf32, #tpu.memory_space<hbm>>) target_semaphore(%run_scoped3A : memref<!tpu.dma_semaphore, #tpu.memory_space<semaphore_mem>>)
      %dma_wait3A = arith.constant 0 : i32
      %dma_wait3A_20 = tpu.memref_slice %arg6[%add3A_16, %dma_wait3A] : memref<20480x128xf32, #tpu.memory_space<hbm>> -> memref<640x128xf32, #tpu.memory_space<hbm>>
      %dma_wait3A_21 = arith.constant 0 : i32
      %dma_wait3A_22 = tpu.memref_slice %arg10[%mul3A_11, %dma_wait3A_21] : memref<10240x128xf32, #tpu.memory_space<vmem_shared>> -> memref<640x128xf32, #tpu.memory_space<vmem_shared>>
      tpu.wait_dma2 semaphore(%run_scoped3A : memref<!tpu.dma_semaphore, #tpu.memory_space<semaphore_mem>>) src(%dma_wait3A_22 : memref<640x128xf32, #tpu.memory_space<vmem_shared>>) dst(%dma_wait3A_20 : memref<640x128xf32, #tpu.memory_space<hbm>>)
      tpu.yield
    }) : () -> ()
    return
  }
}

#map = affine_map<(d0, d1) -> (0, 0, 0)>
#map1 = affine_map<(d0, d1) -> (0, 0)>
module attributes {stable_mosaic.version = 14 : i64} {
  func.func @_sc_count_body(%arg0: i32, %arg1: i32, %arg2: memref<32x79x128xi32, #tpu.memory_space<hbm>>, %arg3: memref<10240x128xf32, #tpu.memory_space<hbm>>, %arg4: memref<128x128xf32, #tpu.memory_space<hbm>>, %arg5: memref<20480x128xf32, #tpu.memory_space<hbm>>, %arg6: memref<79x128xi32, #tpu.memory_space<vmem>>, %arg7: memref<128x128xf32, #tpu.memory_space<vmem>>, %arg8: memref<10240x128xf32, #tpu.memory_space<vmem_shared>>) attributes {dimension_semantics = [#tpu.dimension_semantics<core_parallel>, #tpu.dimension_semantics<subcore_parallel>], iteration_bounds = array<i64: 2, 16>, scalar_prefetch = 0 : i64, scratch_operands = 3 : i64, tpu.core_type = #tpu.core_type<sc_vector_subcore>, window_params = [{transform_indices = #map}, {transform_indices = #map1}, {transform_indices = #map1}, {transform_indices = #map1}]} {
    %mul3A = arith.constant 16 : i32
    %mul3A_0 = arith.muli %arg0, %mul3A : i32
    %add3A = arith.addi %mul3A_0, %arg1 : i32
    %mul3A_1 = arith.constant 640 : i32
    %mul3A_2 = arith.muli %arg1, %mul3A_1 : i32
    %mul3A_3 = arith.constant 640 : i32
    %mul3A_4 = arith.muli %arg1, %mul3A_3 : i32
    "tpu.region"() ({
      %run_scoped3A = tpu.sem_alloc : memref<!tpu.dma_semaphore, #tpu.memory_space<semaphore_mem>>
      %dma_start3A = arith.constant 0 : i32
      %dma_start3A_17 = tpu.memref_slice %arg8[%mul3A_4, %dma_start3A] : memref<10240x128xf32, #tpu.memory_space<vmem_shared>> -> memref<640x128xf32, #tpu.memory_space<vmem_shared>>
      %dma_start3A_18 = arith.constant 0 : i32
      %dma_start3A_19 = tpu.memref_slice %arg3[%mul3A_2, %dma_start3A_18] : memref<10240x128xf32, #tpu.memory_space<hbm>> -> memref<640x128xf32, #tpu.memory_space<hbm>>
      tpu.enqueue_dma source(%dma_start3A_19 : memref<640x128xf32, #tpu.memory_space<hbm>>) target(%dma_start3A_17 : memref<640x128xf32, #tpu.memory_space<vmem_shared>>) target_semaphore(%run_scoped3A : memref<!tpu.dma_semaphore, #tpu.memory_space<semaphore_mem>>)
      %dma_wait3A = arith.constant 0 : i32
      %dma_wait3A_20 = tpu.memref_slice %arg8[%mul3A_4, %dma_wait3A] : memref<10240x128xf32, #tpu.memory_space<vmem_shared>> -> memref<640x128xf32, #tpu.memory_space<vmem_shared>>
      %dma_wait3A_21 = arith.constant 0 : i32
      %dma_wait3A_22 = tpu.memref_slice %arg3[%mul3A_2, %dma_wait3A_21] : memref<10240x128xf32, #tpu.memory_space<hbm>> -> memref<640x128xf32, #tpu.memory_space<hbm>>
      tpu.wait_dma2 semaphore(%run_scoped3A : memref<!tpu.dma_semaphore, #tpu.memory_space<semaphore_mem>>) src(%dma_wait3A_22 : memref<640x128xf32, #tpu.memory_space<hbm>>) dst(%dma_wait3A_20 : memref<640x128xf32, #tpu.memory_space<vmem_shared>>)
      tpu.yield
    }) : () -> ()
    "tpu.region"() ({
      %run_scoped3A = tpu.sem_alloc : memref<!tpu.dma_semaphore, #tpu.memory_space<semaphore_mem>>
      tpu.enqueue_dma source(%arg4 : memref<128x128xf32, #tpu.memory_space<hbm>>) target(%arg7 : memref<128x128xf32, #tpu.memory_space<vmem>>) target_semaphore(%run_scoped3A : memref<!tpu.dma_semaphore, #tpu.memory_space<semaphore_mem>>)
      tpu.wait_dma2 semaphore(%run_scoped3A : memref<!tpu.dma_semaphore, #tpu.memory_space<semaphore_mem>>) src(%arg4 : memref<128x128xf32, #tpu.memory_space<hbm>>) dst(%arg7 : memref<128x128xf32, #tpu.memory_space<vmem>>)
      tpu.yield
    }) : () -> ()
    "tpu.region"() ({
      %run_scoped3A = tpu.sem_alloc : memref<!tpu.dma_semaphore, #tpu.memory_space<semaphore_mem>>
      %dma_start3A = arith.constant 0 : i32
      %dma_start3A_17 = arith.constant 0 : i32
      %dma_start3A_18 = tpu.memref_slice %arg2[%add3A, %dma_start3A, %dma_start3A_17] : memref<32x79x128xi32, #tpu.memory_space<hbm>> -> memref<1x79x128xi32, #tpu.memory_space<hbm>>
      %dma_start3A_19 = tpu.memref_squeeze %dma_start3A_18 : memref<1x79x128xi32, #tpu.memory_space<hbm>> -> memref<79x128xi32, #tpu.memory_space<hbm>>
      %dma_start3A_20 = arith.constant 0 : i32
      %dma_start3A_21 = arith.constant 0 : i32
      %dma_start3A_22 = tpu.memref_slice %arg2[%add3A, %dma_start3A_20, %dma_start3A_21] : memref<32x79x128xi32, #tpu.memory_space<hbm>> -> memref<1x79x128xi32, #tpu.memory_space<hbm>>
      %dma_start3A_23 = tpu.memref_squeeze %dma_start3A_22 : memref<1x79x128xi32, #tpu.memory_space<hbm>> -> memref<79x128xi32, #tpu.memory_space<hbm>>
      tpu.enqueue_dma source(%dma_start3A_23 : memref<79x128xi32, #tpu.memory_space<hbm>>) target(%arg6 : memref<79x128xi32, #tpu.memory_space<vmem>>) target_semaphore(%run_scoped3A : memref<!tpu.dma_semaphore, #tpu.memory_space<semaphore_mem>>)
      %dma_wait3A = arith.constant 0 : i32
      %dma_wait3A_24 = arith.constant 0 : i32
      %dma_wait3A_25 = tpu.memref_slice %arg2[%add3A, %dma_wait3A, %dma_wait3A_24] : memref<32x79x128xi32, #tpu.memory_space<hbm>> -> memref<1x79x128xi32, #tpu.memory_space<hbm>>
      %dma_wait3A_26 = tpu.memref_squeeze %dma_wait3A_25 : memref<1x79x128xi32, #tpu.memory_space<hbm>> -> memref<79x128xi32, #tpu.memory_space<hbm>>
      %dma_wait3A_27 = arith.constant 0 : i32
      %dma_wait3A_28 = arith.constant 0 : i32
      %dma_wait3A_29 = tpu.memref_slice %arg2[%add3A, %dma_wait3A_27, %dma_wait3A_28] : memref<32x79x128xi32, #tpu.memory_space<hbm>> -> memref<1x79x128xi32, #tpu.memory_space<hbm>>
      %dma_wait3A_30 = tpu.memref_squeeze %dma_wait3A_29 : memref<1x79x128xi32, #tpu.memory_space<hbm>> -> memref<79x128xi32, #tpu.memory_space<hbm>>
      tpu.wait_dma2 semaphore(%run_scoped3A : memref<!tpu.dma_semaphore, #tpu.memory_space<semaphore_mem>>) src(%dma_wait3A_30 : memref<79x128xi32, #tpu.memory_space<hbm>>) dst(%arg6 : memref<79x128xi32, #tpu.memory_space<vmem>>)
      tpu.yield
    }) : () -> ()
    %barrier3A = arith.constant 0 : index
    tpu.barrier barrier_id(%barrier3A)
    %scan3A = arith.constant 0 : i32
    %scan3A_5 = arith.constant 79 : i32
    %scan3A_6 = arith.addi %scan3A, %scan3A_5 : i32
    %scan3A_7 = arith.constant 1 : i32
    scf.for %scan3A_17 = %scan3A to %scan3A_6 step %scan3A_7  : i32 {
      %mul3A_18 = arith.constant 1 : i32
      %mul3A_19 = arith.muli %scan3A_17, %mul3A_18 : i32
      %add3A_20 = arith.constant 0 : i32
      %add3A_21 = arith.addi %add3A_20, %mul3A_19 : i32
      "tpu.region"() ({
        %run_scoped3A = tpu.sem_alloc : memref<!tpu.dma_semaphore, #tpu.memory_space<semaphore_mem>>
        %dma_start3A = arith.constant 0 : i32
        %dma_start3A_22 = tpu.memref_slice %arg6[%add3A_21, %dma_start3A] : memref<79x128xi32, #tpu.memory_space<vmem>> -> memref<1x128xi32, #tpu.memory_space<vmem>>
        %dma_start3A_23 = tpu.memref_squeeze %dma_start3A_22 : memref<1x128xi32, #tpu.memory_space<vmem>> -> memref<128xi32, #tpu.memory_space<vmem>>
        %dma_start3A_24 = arith.constant 0 : i32
        %dma_start3A_25 = arith.constant 0 : i32
        %dma_start3A_26 = tpu.memref_slice %arg8[%dma_start3A_24, %dma_start3A_25] : memref<10240x128xf32, #tpu.memory_space<vmem_shared>> -> memref<10240x128xf32, #tpu.memory_space<vmem_shared>>
        tpu.enqueue_indirect_dma source(%arg7 : memref<128x128xf32, #tpu.memory_space<vmem>>) target(%dma_start3A_26 : memref<10240x128xf32, #tpu.memory_space<vmem_shared>>) offsets(%dma_start3A_23 : memref<128xi32, #tpu.memory_space<vmem>>) semaphore(%run_scoped3A : memref<!tpu.dma_semaphore, #tpu.memory_space<semaphore_mem>>) {add = true}
        %dma_wait3A = arith.constant 0 : i32
        %dma_wait3A_27 = tpu.memref_slice %arg6[%add3A_21, %dma_wait3A] : memref<79x128xi32, #tpu.memory_space<vmem>> -> memref<1x128xi32, #tpu.memory_space<vmem>>
        %dma_wait3A_28 = tpu.memref_squeeze %dma_wait3A_27 : memref<1x128xi32, #tpu.memory_space<vmem>> -> memref<128xi32, #tpu.memory_space<vmem>>
        %dma_wait3A_29 = arith.constant 0 : i32
        %dma_wait3A_30 = arith.constant 0 : i32
        %dma_wait3A_31 = tpu.memref_slice %arg8[%dma_wait3A_29, %dma_wait3A_30] : memref<10240x128xf32, #tpu.memory_space<vmem_shared>> -> memref<10240x128xf32, #tpu.memory_space<vmem_shared>>
        tpu.wait_indirect_dma semaphore(%run_scoped3A : memref<!tpu.dma_semaphore, #tpu.memory_space<semaphore_mem>>) src(%arg7 : memref<128x128xf32, #tpu.memory_space<vmem>>) dst(%dma_wait3A_31 : memref<10240x128xf32, #tpu.memory_space<vmem_shared>>)
        tpu.yield
      }) : () -> ()
    }
    %scan3A_8 = arith.constant 79 : i32
    %barrier3A_9 = arith.constant 0 : index
    tpu.barrier barrier_id(%barrier3A_9)
    %mul3A_10 = arith.constant 640 : i32
    %mul3A_11 = arith.muli %arg1, %mul3A_10 : i32
    %mul3A_12 = arith.constant 10240 : i32
    %mul3A_13 = arith.muli %arg0, %mul3A_12 : i32
    %mul3A_14 = arith.constant 640 : i32
    %mul3A_15 = arith.muli %arg1, %mul3A_14 : i32
    %add3A_16 = arith.addi %mul3A_13, %mul3A_15 : i32
    "tpu.region"() ({
      %run_scoped3A = tpu.sem_alloc : memref<!tpu.dma_semaphore, #tpu.memory_space<semaphore_mem>>
      %dma_start3A = arith.constant 0 : i32
      %dma_start3A_17 = tpu.memref_slice %arg5[%add3A_16, %dma_start3A] : memref<20480x128xf32, #tpu.memory_space<hbm>> -> memref<640x128xf32, #tpu.memory_space<hbm>>
      %dma_start3A_18 = arith.constant 0 : i32
      %dma_start3A_19 = tpu.memref_slice %arg8[%mul3A_11, %dma_start3A_18] : memref<10240x128xf32, #tpu.memory_space<vmem_shared>> -> memref<640x128xf32, #tpu.memory_space<vmem_shared>>
      tpu.enqueue_dma source(%dma_start3A_19 : memref<640x128xf32, #tpu.memory_space<vmem_shared>>) target(%dma_start3A_17 : memref<640x128xf32, #tpu.memory_space<hbm>>) target_semaphore(%run_scoped3A : memref<!tpu.dma_semaphore, #tpu.memory_space<semaphore_mem>>)
      %dma_wait3A = arith.constant 0 : i32
      %dma_wait3A_20 = tpu.memref_slice %arg5[%add3A_16, %dma_wait3A] : memref<20480x128xf32, #tpu.memory_space<hbm>> -> memref<640x128xf32, #tpu.memory_space<hbm>>
      %dma_wait3A_21 = arith.constant 0 : i32
      %dma_wait3A_22 = tpu.memref_slice %arg8[%mul3A_11, %dma_wait3A_21] : memref<10240x128xf32, #tpu.memory_space<vmem_shared>> -> memref<640x128xf32, #tpu.memory_space<vmem_shared>>
      tpu.wait_dma2 semaphore(%run_scoped3A : memref<!tpu.dma_semaphore, #tpu.memory_space<semaphore_mem>>) src(%dma_wait3A_22 : memref<640x128xf32, #tpu.memory_space<vmem_shared>>) dst(%dma_wait3A_20 : memref<640x128xf32, #tpu.memory_space<hbm>>)
      tpu.yield
    }) : () -> ()
    return
  }
}

#map = affine_map<(d0, d1) -> (0, 0)>
#map1 = affine_map<(d0, d1) -> (0, 0, 0)>
module attributes {stable_mosaic.version = 14 : i64} {
  func.func @_sc_segsum_body(%arg0: i32, %arg1: i32, %arg2: memref<10240x128xf32, #tpu.memory_space<hbm>>, %arg3: memref<32x79x128xi32, #tpu.memory_space<hbm>>, %arg4: memref<32x79x128xi32, #tpu.memory_space<hbm>>, %arg5: memref<10240x128xf32, #tpu.memory_space<hbm>>, %arg6: memref<20480x128xf32, #tpu.memory_space<hbm>>, %arg7: memref<79x128xi32, #tpu.memory_space<vmem>>, %arg8: memref<79x128xi32, #tpu.memory_space<vmem>>, %arg9: memref<128x128xf32, #tpu.memory_space<vmem>>, %arg10: memref<10240x128xf32, #tpu.memory_space<vmem_shared>>) attributes {dimension_semantics = [#tpu.dimension_semantics<core_parallel>, #tpu.dimension_semantics<subcore_parallel>], iteration_bounds = array<i64: 2, 16>, scalar_prefetch = 0 : i64, scratch_operands = 4 : i64, tpu.core_type = #tpu.core_type<sc_vector_subcore>, window_params = [{transform_indices = #map}, {transform_indices = #map1}, {transform_indices = #map1}, {transform_indices = #map}, {transform_indices = #map}]} {
    %mul3A = arith.constant 16 : i32
    %mul3A_0 = arith.muli %arg0, %mul3A : i32
    %add3A = arith.addi %mul3A_0, %arg1 : i32
    %mul3A_1 = arith.constant 640 : i32
    %mul3A_2 = arith.muli %arg1, %mul3A_1 : i32
    %mul3A_3 = arith.constant 640 : i32
    %mul3A_4 = arith.muli %arg1, %mul3A_3 : i32
    "tpu.region"() ({
      %run_scoped3A = tpu.sem_alloc : memref<!tpu.dma_semaphore, #tpu.memory_space<semaphore_mem>>
      %dma_start3A = arith.constant 0 : i32
      %dma_start3A_17 = tpu.memref_slice %arg10[%mul3A_4, %dma_start3A] : memref<10240x128xf32, #tpu.memory_space<vmem_shared>> -> memref<640x128xf32, #tpu.memory_space<vmem_shared>>
      %dma_start3A_18 = arith.constant 0 : i32
      %dma_start3A_19 = tpu.memref_slice %arg5[%mul3A_2, %dma_start3A_18] : memref<10240x128xf32, #tpu.memory_space<hbm>> -> memref<640x128xf32, #tpu.memory_space<hbm>>
      tpu.enqueue_dma source(%dma_start3A_19 : memref<640x128xf32, #tpu.memory_space<hbm>>) target(%dma_start3A_17 : memref<640x128xf32, #tpu.memory_space<vmem_shared>>) target_semaphore(%run_scoped3A : memref<!tpu.dma_semaphore, #tpu.memory_space<semaphore_mem>>)
      %dma_wait3A = arith.constant 0 : i32
      %dma_wait3A_20 = tpu.memref_slice %arg10[%mul3A_4, %dma_wait3A] : memref<10240x128xf32, #tpu.memory_space<vmem_shared>> -> memref<640x128xf32, #tpu.memory_space<vmem_shared>>
      %dma_wait3A_21 = arith.constant 0 : i32
      %dma_wait3A_22 = tpu.memref_slice %arg5[%mul3A_2, %dma_wait3A_21] : memref<10240x128xf32, #tpu.memory_space<hbm>> -> memref<640x128xf32, #tpu.memory_space<hbm>>
      tpu.wait_dma2 semaphore(%run_scoped3A : memref<!tpu.dma_semaphore, #tpu.memory_space<semaphore_mem>>) src(%dma_wait3A_22 : memref<640x128xf32, #tpu.memory_space<hbm>>) dst(%dma_wait3A_20 : memref<640x128xf32, #tpu.memory_space<vmem_shared>>)
      tpu.yield
    }) : () -> ()
    "tpu.region"() ({
      %run_scoped3A = tpu.sem_alloc : memref<!tpu.dma_semaphore, #tpu.memory_space<semaphore_mem>>
      %dma_start3A = arith.constant 0 : i32
      %dma_start3A_17 = arith.constant 0 : i32
      %dma_start3A_18 = tpu.memref_slice %arg3[%add3A, %dma_start3A, %dma_start3A_17] : memref<32x79x128xi32, #tpu.memory_space<hbm>> -> memref<1x79x128xi32, #tpu.memory_space<hbm>>
      %dma_start3A_19 = tpu.memref_squeeze %dma_start3A_18 : memref<1x79x128xi32, #tpu.memory_space<hbm>> -> memref<79x128xi32, #tpu.memory_space<hbm>>
      %dma_start3A_20 = arith.constant 0 : i32
      %dma_start3A_21 = arith.constant 0 : i32
      %dma_start3A_22 = tpu.memref_slice %arg3[%add3A, %dma_start3A_20, %dma_start3A_21] : memref<32x79x128xi32, #tpu.memory_space<hbm>> -> memref<1x79x128xi32, #tpu.memory_space<hbm>>
      %dma_start3A_23 = tpu.memref_squeeze %dma_start3A_22 : memref<1x79x128xi32, #tpu.memory_space<hbm>> -> memref<79x128xi32, #tpu.memory_space<hbm>>
      tpu.enqueue_dma source(%dma_start3A_23 : memref<79x128xi32, #tpu.memory_space<hbm>>) target(%arg7 : memref<79x128xi32, #tpu.memory_space<vmem>>) target_semaphore(%run_scoped3A : memref<!tpu.dma_semaphore, #tpu.memory_space<semaphore_mem>>)
      %dma_wait3A = arith.constant 0 : i32
      %dma_wait3A_24 = arith.constant 0 : i32
      %dma_wait3A_25 = tpu.memref_slice %arg3[%add3A, %dma_wait3A, %dma_wait3A_24] : memref<32x79x128xi32, #tpu.memory_space<hbm>> -> memref<1x79x128xi32, #tpu.memory_space<hbm>>
      %dma_wait3A_26 = tpu.memref_squeeze %dma_wait3A_25 : memref<1x79x128xi32, #tpu.memory_space<hbm>> -> memref<79x128xi32, #tpu.memory_space<hbm>>
      %dma_wait3A_27 = arith.constant 0 : i32
      %dma_wait3A_28 = arith.constant 0 : i32
      %dma_wait3A_29 = tpu.memref_slice %arg3[%add3A, %dma_wait3A_27, %dma_wait3A_28] : memref<32x79x128xi32, #tpu.memory_space<hbm>> -> memref<1x79x128xi32, #tpu.memory_space<hbm>>
      %dma_wait3A_30 = tpu.memref_squeeze %dma_wait3A_29 : memref<1x79x128xi32, #tpu.memory_space<hbm>> -> memref<79x128xi32, #tpu.memory_space<hbm>>
      tpu.wait_dma2 semaphore(%run_scoped3A : memref<!tpu.dma_semaphore, #tpu.memory_space<semaphore_mem>>) src(%dma_wait3A_30 : memref<79x128xi32, #tpu.memory_space<hbm>>) dst(%arg7 : memref<79x128xi32, #tpu.memory_space<vmem>>)
      tpu.yield
    }) : () -> ()
    "tpu.region"() ({
      %run_scoped3A = tpu.sem_alloc : memref<!tpu.dma_semaphore, #tpu.memory_space<semaphore_mem>>
      %dma_start3A = arith.constant 0 : i32
      %dma_start3A_17 = arith.constant 0 : i32
      %dma_start3A_18 = tpu.memref_slice %arg4[%add3A, %dma_start3A, %dma_start3A_17] : memref<32x79x128xi32, #tpu.memory_space<hbm>> -> memref<1x79x128xi32, #tpu.memory_space<hbm>>
      %dma_start3A_19 = tpu.memref_squeeze %dma_start3A_18 : memref<1x79x128xi32, #tpu.memory_space<hbm>> -> memref<79x128xi32, #tpu.memory_space<hbm>>
      %dma_start3A_20 = arith.constant 0 : i32
      %dma_start3A_21 = arith.constant 0 : i32
      %dma_start3A_22 = tpu.memref_slice %arg4[%add3A, %dma_start3A_20, %dma_start3A_21] : memref<32x79x128xi32, #tpu.memory_space<hbm>> -> memref<1x79x128xi32, #tpu.memory_space<hbm>>
      %dma_start3A_23 = tpu.memref_squeeze %dma_start3A_22 : memref<1x79x128xi32, #tpu.memory_space<hbm>> -> memref<79x128xi32, #tpu.memory_space<hbm>>
      tpu.enqueue_dma source(%dma_start3A_23 : memref<79x128xi32, #tpu.memory_space<hbm>>) target(%arg8 : memref<79x128xi32, #tpu.memory_space<vmem>>) target_semaphore(%run_scoped3A : memref<!tpu.dma_semaphore, #tpu.memory_space<semaphore_mem>>)
      %dma_wait3A = arith.constant 0 : i32
      %dma_wait3A_24 = arith.constant 0 : i32
      %dma_wait3A_25 = tpu.memref_slice %arg4[%add3A, %dma_wait3A, %dma_wait3A_24] : memref<32x79x128xi32, #tpu.memory_space<hbm>> -> memref<1x79x128xi32, #tpu.memory_space<hbm>>
      %dma_wait3A_26 = tpu.memref_squeeze %dma_wait3A_25 : memref<1x79x128xi32, #tpu.memory_space<hbm>> -> memref<79x128xi32, #tpu.memory_space<hbm>>
      %dma_wait3A_27 = arith.constant 0 : i32
      %dma_wait3A_28 = arith.constant 0 : i32
      %dma_wait3A_29 = tpu.memref_slice %arg4[%add3A, %dma_wait3A_27, %dma_wait3A_28] : memref<32x79x128xi32, #tpu.memory_space<hbm>> -> memref<1x79x128xi32, #tpu.memory_space<hbm>>
      %dma_wait3A_30 = tpu.memref_squeeze %dma_wait3A_29 : memref<1x79x128xi32, #tpu.memory_space<hbm>> -> memref<79x128xi32, #tpu.memory_space<hbm>>
      tpu.wait_dma2 semaphore(%run_scoped3A : memref<!tpu.dma_semaphore, #tpu.memory_space<semaphore_mem>>) src(%dma_wait3A_30 : memref<79x128xi32, #tpu.memory_space<hbm>>) dst(%arg8 : memref<79x128xi32, #tpu.memory_space<vmem>>)
      tpu.yield
    }) : () -> ()
    %barrier3A = arith.constant 0 : index
    tpu.barrier barrier_id(%barrier3A)
    %scan3A = arith.constant 0 : i32
    %scan3A_5 = arith.constant 79 : i32
    %scan3A_6 = arith.addi %scan3A, %scan3A_5 : i32
    %scan3A_7 = arith.constant 1 : i32
    scf.for %scan3A_17 = %scan3A to %scan3A_6 step %scan3A_7  : i32 {
      %mul3A_18 = arith.constant 1 : i32
      %mul3A_19 = arith.muli %scan3A_17, %mul3A_18 : i32
      %add3A_20 = arith.constant 0 : i32
      %add3A_21 = arith.addi %add3A_20, %mul3A_19 : i32
      "tpu.region"() ({
        %run_scoped3A = tpu.sem_alloc : memref<!tpu.dma_semaphore, #tpu.memory_space<semaphore_mem>>
        %dma_start3A = arith.constant 0 : i32
        %dma_start3A_22 = tpu.memref_slice %arg7[%add3A_21, %dma_start3A] : memref<79x128xi32, #tpu.memory_space<vmem>> -> memref<1x128xi32, #tpu.memory_space<vmem>>
        %dma_start3A_23 = tpu.memref_squeeze %dma_start3A_22 : memref<1x128xi32, #tpu.memory_space<vmem>> -> memref<128xi32, #tpu.memory_space<vmem>>
        %dma_start3A_24 = arith.constant 0 : i32
        %dma_start3A_25 = arith.constant 0 : i32
        %dma_start3A_26 = tpu.memref_slice %arg2[%dma_start3A_24, %dma_start3A_25] : memref<10240x128xf32, #tpu.memory_space<hbm>> -> memref<10240x128xf32, #tpu.memory_space<hbm>>
        tpu.enqueue_indirect_dma source(%dma_start3A_26 : memref<10240x128xf32, #tpu.memory_space<hbm>>) target(%arg9 : memref<128x128xf32, #tpu.memory_space<vmem>>) offsets(%dma_start3A_23 : memref<128xi32, #tpu.memory_space<vmem>>) semaphore(%run_scoped3A : memref<!tpu.dma_semaphore, #tpu.memory_space<semaphore_mem>>)
        %dma_wait3A = arith.constant 0 : i32
        %dma_wait3A_27 = tpu.memref_slice %arg7[%add3A_21, %dma_wait3A] : memref<79x128xi32, #tpu.memory_space<vmem>> -> memref<1x128xi32, #tpu.memory_space<vmem>>
        %dma_wait3A_28 = tpu.memref_squeeze %dma_wait3A_27 : memref<1x128xi32, #tpu.memory_space<vmem>> -> memref<128xi32, #tpu.memory_space<vmem>>
        %dma_wait3A_29 = arith.constant 0 : i32
        %dma_wait3A_30 = arith.constant 0 : i32
        %dma_wait3A_31 = tpu.memref_slice %arg2[%dma_wait3A_29, %dma_wait3A_30] : memref<10240x128xf32, #tpu.memory_space<hbm>> -> memref<10240x128xf32, #tpu.memory_space<hbm>>
        tpu.wait_indirect_dma semaphore(%run_scoped3A : memref<!tpu.dma_semaphore, #tpu.memory_space<semaphore_mem>>) src(%dma_wait3A_31 : memref<10240x128xf32, #tpu.memory_space<hbm>>) dst(%arg9 : memref<128x128xf32, #tpu.memory_space<vmem>>)
        tpu.yield
      }) : () -> ()
      "tpu.region"() ({
        %run_scoped3A = tpu.sem_alloc : memref<!tpu.dma_semaphore, #tpu.memory_space<semaphore_mem>>
        %dma_start3A = arith.constant 0 : i32
        %dma_start3A_22 = tpu.memref_slice %arg8[%add3A_21, %dma_start3A] : memref<79x128xi32, #tpu.memory_space<vmem>> -> memref<1x128xi32, #tpu.memory_space<vmem>>
        %dma_start3A_23 = tpu.memref_squeeze %dma_start3A_22 : memref<1x128xi32, #tpu.memory_space<vmem>> -> memref<128xi32, #tpu.memory_space<vmem>>
        %dma_start3A_24 = arith.constant 0 : i32
        %dma_start3A_25 = arith.constant 0 : i32
        %dma_start3A_26 = tpu.memref_slice %arg10[%dma_start3A_24, %dma_start3A_25] : memref<10240x128xf32, #tpu.memory_space<vmem_shared>> -> memref<10240x128xf32, #tpu.memory_space<vmem_shared>>
        tpu.enqueue_indirect_dma source(%arg9 : memref<128x128xf32, #tpu.memory_space<vmem>>) target(%dma_start3A_26 : memref<10240x128xf32, #tpu.memory_space<vmem_shared>>) offsets(%dma_start3A_23 : memref<128xi32, #tpu.memory_space<vmem>>) semaphore(%run_scoped3A : memref<!tpu.dma_semaphore, #tpu.memory_space<semaphore_mem>>) {add = true}
        %dma_wait3A = arith.constant 0 : i32
        %dma_wait3A_27 = tpu.memref_slice %arg8[%add3A_21, %dma_wait3A] : memref<79x128xi32, #tpu.memory_space<vmem>> -> memref<1x128xi32, #tpu.memory_space<vmem>>
        %dma_wait3A_28 = tpu.memref_squeeze %dma_wait3A_27 : memref<1x128xi32, #tpu.memory_space<vmem>> -> memref<128xi32, #tpu.memory_space<vmem>>
        %dma_wait3A_29 = arith.constant 0 : i32
        %dma_wait3A_30 = arith.constant 0 : i32
        %dma_wait3A_31 = tpu.memref_slice %arg10[%dma_wait3A_29, %dma_wait3A_30] : memref<10240x128xf32, #tpu.memory_space<vmem_shared>> -> memref<10240x128xf32, #tpu.memory_space<vmem_shared>>
        tpu.wait_indirect_dma semaphore(%run_scoped3A : memref<!tpu.dma_semaphore, #tpu.memory_space<semaphore_mem>>) src(%arg9 : memref<128x128xf32, #tpu.memory_space<vmem>>) dst(%dma_wait3A_31 : memref<10240x128xf32, #tpu.memory_space<vmem_shared>>)
        tpu.yield
      }) : () -> ()
    }
    %scan3A_8 = arith.constant 79 : i32
    %barrier3A_9 = arith.constant 0 : index
    tpu.barrier barrier_id(%barrier3A_9)
    %mul3A_10 = arith.constant 640 : i32
    %mul3A_11 = arith.muli %arg1, %mul3A_10 : i32
    %mul3A_12 = arith.constant 10240 : i32
    %mul3A_13 = arith.muli %arg0, %mul3A_12 : i32
    %mul3A_14 = arith.constant 640 : i32
    %mul3A_15 = arith.muli %arg1, %mul3A_14 : i32
    %add3A_16 = arith.addi %mul3A_13, %mul3A_15 : i32
    "tpu.region"() ({
      %run_scoped3A = tpu.sem_alloc : memref<!tpu.dma_semaphore, #tpu.memory_space<semaphore_mem>>
      %dma_start3A = arith.constant 0 : i32
      %dma_start3A_17 = tpu.memref_slice %arg6[%add3A_16, %dma_start3A] : memref<20480x128xf32, #tpu.memory_space<hbm>> -> memref<640x128xf32, #tpu.memory_space<hbm>>
      %dma_start3A_18 = arith.constant 0 : i32
      %dma_start3A_19 = tpu.memref_slice %arg10[%mul3A_11, %dma_start3A_18] : memref<10240x128xf32, #tpu.memory_space<vmem_shared>> -> memref<640x128xf32, #tpu.memory_space<vmem_shared>>
      tpu.enqueue_dma source(%dma_start3A_19 : memref<640x128xf32, #tpu.memory_space<vmem_shared>>) target(%dma_start3A_17 : memref<640x128xf32, #tpu.memory_space<hbm>>) target_semaphore(%run_scoped3A : memref<!tpu.dma_semaphore, #tpu.memory_space<semaphore_mem>>)
      %dma_wait3A = arith.constant 0 : i32
      %dma_wait3A_20 = tpu.memref_slice %arg6[%add3A_16, %dma_wait3A] : memref<20480x128xf32, #tpu.memory_space<hbm>> -> memref<640x128xf32, #tpu.memory_space<hbm>>
      %dma_wait3A_21 = arith.constant 0 : i32
      %dma_wait3A_22 = tpu.memref_slice %arg10[%mul3A_11, %dma_wait3A_21] : memref<10240x128xf32, #tpu.memory_space<vmem_shared>> -> memref<640x128xf32, #tpu.memory_space<vmem_shared>>
      tpu.wait_dma2 semaphore(%run_scoped3A : memref<!tpu.dma_semaphore, #tpu.memory_space<semaphore_mem>>) src(%dma_wait3A_22 : memref<640x128xf32, #tpu.memory_space<vmem_shared>>) dst(%dma_wait3A_20 : memref<640x128xf32, #tpu.memory_space<hbm>>)
      tpu.yield
    }) : () -> ()
    return
  }
}

module attributes {stable_mosaic.version = 14 : i64} {
  func.func @_prep_body(%arg0: i32, %arg1: memref<2x1024x128xf32, #tpu.memory_space<vmem>>, %arg2: memref<1024x128xf32, #tpu.memory_space<vmem>>, %arg3: memref<1024x128xf32, #tpu.memory_space<vmem>>, %arg4: memref<1024x1xf32, #tpu.memory_space<vmem>>) attributes {dimension_semantics = [#tpu.dimension_semantics<arbitrary>], iteration_bounds = array<i64: 10>, scalar_prefetch = 0 : i64, scratch_operands = 0 : i64, tpu.core_type = #tpu.core_type<tc>, window_params = [{transform_indices = @transform_0, window_bounds = array<i64: 2, 1024, 128>}, {transform_indices = @transform_1, window_bounds = array<i64: 1024, 128>}, {transform_indices = @transform_2, window_bounds = array<i64: 1024, 128>}, {transform_indices = @transform_3, window_bounds = array<i64: 1024, 1>}]} {
    %get3A = arith.constant 0 : index
    %get3A_0 = arith.constant 0 : index
    %get3A_1 = arith.constant 0 : index
    %get3A_2 = vector.load %arg1[%get3A, %get3A_0, %get3A_1] : memref<2x1024x128xf32, #tpu.memory_space<vmem>>, vector<1x1024x1xf32>
    %get3A_3 = vector.shape_cast %get3A_2 : vector<1x1024x1xf32> to vector<1024x1xf32>
    %get3A_4 = arith.constant 1 : index
    %get3A_5 = arith.constant 0 : index
    %get3A_6 = arith.constant 0 : index
    %get3A_7 = vector.load %arg1[%get3A_4, %get3A_5, %get3A_6] : memref<2x1024x128xf32, #tpu.memory_space<vmem>>, vector<1x1024x1xf32>
    %get3A_8 = vector.shape_cast %get3A_7 : vector<1x1024x1xf32> to vector<1024x1xf32>
    %add3A = arith.addf %get3A_3, %get3A_8 : vector<1024x1xf32>
    %add3A_9 = arith.constant 1.000000e+00 : f32
    %add3A_10 = vector.broadcast %add3A_9 : f32 to vector<1024x1xf32>
    %add3A_11 = arith.addf %add3A, %add3A_10 : vector<1024x1xf32>
    %rsqrt3A = math.rsqrt %add3A_11 : vector<1024x1xf32>
    %swap3A = arith.constant 0 : index
    %swap3A_12 = arith.constant 0 : index
    %swap3A_13 = vector.load %arg4[%swap3A, %swap3A_12] : memref<1024x1xf32, #tpu.memory_space<vmem>>, vector<1024x1xf32>
    tpu.vector_store %arg4[%swap3A, %swap3A_12], %rsqrt3A {strides = array<i32>} : memref<1024x1xf32, #tpu.memory_space<vmem>>, vector<1024x1xf32>,
    %get3A_14 = arith.constant 0 : index
    %get3A_15 = arith.constant 0 : index
    %get3A_16 = vector.load %arg2[%get3A_14, %get3A_15] : memref<1024x128xf32, #tpu.memory_space<vmem>>, vector<1024x128xf32>
    %mul3A = vector.broadcast %rsqrt3A : vector<1024x1xf32> to vector<1024x128xf32>
    %mul3A_17 = arith.mulf %get3A_16, %mul3A : vector<1024x128xf32>
    %swap3A_18 = arith.constant 0 : index
    %swap3A_19 = arith.constant 0 : index
    %swap3A_20 = vector.load %arg3[%swap3A_18, %swap3A_19] : memref<1024x128xf32, #tpu.memory_space<vmem>>, vector<1024x128xf32>
    tpu.vector_store %arg3[%swap3A_18, %swap3A_19], %mul3A_17 {strides = array<i32>} : memref<1024x128xf32, #tpu.memory_space<vmem>>, vector<1024x128xf32>,
    return
  }
  func.func @transform_0(%arg0: i32) -> (i32, i32, i32) {
    %c0_i32 = arith.constant 0 : i32
    %c0_i32_0 = arith.constant 0 : i32
    %c0_i32_1 = arith.constant 0 : i32
    return %c0_i32, %arg0, %c0_i32_0 : i32, i32, i32
  }
  func.func @transform_1(%arg0: i32) -> (i32, i32) {
    %c0_i32 = arith.constant 0 : i32
    %c0_i32_0 = arith.constant 0 : i32
    return %arg0, %c0_i32 : i32, i32
  }
  func.func @transform_2(%arg0: i32) -> (i32, i32) {
    %c0_i32 = arith.constant 0 : i32
    %c0_i32_0 = arith.constant 0 : i32
    return %arg0, %c0_i32 : i32, i32
  }
  func.func @transform_3(%arg0: i32) -> (i32, i32) {
    %c0_i32 = arith.constant 0 : i32
    %c0_i32_0 = arith.constant 0 : i32
    return %arg0, %c0_i32 : i32, i32
  }
}

module attributes {stable_mosaic.version = 14 : i64} {
  func.func @_mm_body(%arg0: i32, %arg1: memref<1024x128xf32, #tpu.memory_space<vmem>>, %arg2: memref<128x128xf32, #tpu.memory_space<vmem>>, %arg3: memref<1024x128xf32, #tpu.memory_space<vmem>>) attributes {dimension_semantics = [#tpu.dimension_semantics<arbitrary>], iteration_bounds = array<i64: 10>, scalar_prefetch = 0 : i64, scratch_operands = 0 : i64, tpu.core_type = #tpu.core_type<tc>, window_params = [{transform_indices = @transform_0, window_bounds = array<i64: 1024, 128>}, {pipeline_mode = #tpu.pipeline_mode<synchronous>, transform_indices = @transform_1, window_bounds = array<i64: 128, 128>}, {transform_indices = @transform_2, window_bounds = array<i64: 1024, 128>}]} {
    %get3A = arith.constant 0 : index
    %get3A_0 = arith.constant 0 : index
    %get3A_1 = vector.load %arg1[%get3A, %get3A_0] : memref<1024x128xf32, #tpu.memory_space<vmem>>, vector<1024x128xf32>
    %get3A_2 = arith.constant 0 : index
    %get3A_3 = arith.constant 0 : index
    %get3A_4 = vector.load %arg2[%get3A_2, %get3A_3] : memref<128x128xf32, #tpu.memory_space<vmem>>, vector<128x128xf32>
    %dot_general3A = arith.constant dense<0.000000e+00> : vector<1024x128xf32>
    %dot_general3A_5 = tpu.matmul %get3A_1, %get3A_4, %dot_general3A {dimension_numbers = #tpu.dot_dimension_numbers<[1], [0], [0], [1], [0, 0, 1, 1], [], []>, transpose_lhs_hint = false} : vector<1024x128xf32>, vector<128x128xf32>, vector<1024x128xf32> -> vector<1024x128xf32>
    %swap3A = arith.constant 0 : index
    %swap3A_6 = arith.constant 0 : index
    %swap3A_7 = vector.load %arg3[%swap3A, %swap3A_6] : memref<1024x128xf32, #tpu.memory_space<vmem>>, vector<1024x128xf32>
    tpu.vector_store %arg3[%swap3A, %swap3A_6], %dot_general3A_5 {strides = array<i32>} : memref<1024x128xf32, #tpu.memory_space<vmem>>, vector<1024x128xf32>,
    return
  }
  func.func @transform_0(%arg0: i32) -> (i32, i32) {
    %c0_i32 = arith.constant 0 : i32
    %c0_i32_0 = arith.constant 0 : i32
    return %arg0, %c0_i32 : i32, i32
  }
  func.func @transform_1(%arg0: i32) -> (i32, i32) {
    %c0_i32 = arith.constant 0 : i32
    %c0_i32_0 = arith.constant 0 : i32
    %c0_i32_1 = arith.constant 0 : i32
    return %c0_i32, %c0_i32_0 : i32, i32
  }
  func.func @transform_2(%arg0: i32) -> (i32, i32) {
    %c0_i32 = arith.constant 0 : i32
    %c0_i32_0 = arith.constant 0 : i32
    return %arg0, %c0_i32 : i32, i32
  }
}

module attributes {stable_mosaic.version = 14 : i64} {
  func.func @_layer2_body(%arg0: i32, %arg1: memref<2x1024x128xf32, #tpu.memory_space<vmem>>, %arg2: memref<1024x128xf32, #tpu.memory_space<vmem>>, %arg3: memref<1024x1xf32, #tpu.memory_space<vmem>>, %arg4: memref<1x128xf32, #tpu.memory_space<vmem>>, %arg5: memref<128x128xf32, #tpu.memory_space<vmem>>, %arg6: memref<1024x128xf32, #tpu.memory_space<vmem>>) attributes {dimension_semantics = [#tpu.dimension_semantics<arbitrary>], iteration_bounds = array<i64: 10>, scalar_prefetch = 0 : i64, scratch_operands = 0 : i64, tpu.core_type = #tpu.core_type<tc>, window_params = [{transform_indices = @transform_0, window_bounds = array<i64: 2, 1024, 128>}, {transform_indices = @transform_1, window_bounds = array<i64: 1024, 128>}, {transform_indices = @transform_2, window_bounds = array<i64: 1024, 1>}, {pipeline_mode = #tpu.pipeline_mode<synchronous>, transform_indices = @transform_3, window_bounds = array<i64: 1, 128>}, {pipeline_mode = #tpu.pipeline_mode<synchronous>, transform_indices = @transform_4, window_bounds = array<i64: 128, 128>}, {transform_indices = @transform_5, window_bounds = array<i64: 1024, 128>}]} {
    %get3A = arith.constant 0 : index
    %get3A_0 = arith.constant 0 : index
    %get3A_1 = vector.load %arg3[%get3A, %get3A_0] : memref<1024x1xf32, #tpu.memory_space<vmem>>, vector<1024x1xf32>
    %get3A_2 = arith.constant 0 : index
    %get3A_3 = arith.constant 0 : index
    %get3A_4 = arith.constant 0 : index
    %get3A_5 = vector.load %arg1[%get3A_2, %get3A_3, %get3A_4] : memref<2x1024x128xf32, #tpu.memory_space<vmem>>, vector<1x1024x128xf32>
    %get3A_6 = vector.shape_cast %get3A_5 : vector<1x1024x128xf32> to vector<1024x128xf32>
    %get3A_7 = arith.constant 1 : index
    %get3A_8 = arith.constant 0 : index
    %get3A_9 = arith.constant 0 : index
    %get3A_10 = vector.load %arg1[%get3A_7, %get3A_8, %get3A_9] : memref<2x1024x128xf32, #tpu.memory_space<vmem>>, vector<1x1024x128xf32>
    %get3A_11 = vector.shape_cast %get3A_10 : vector<1x1024x128xf32> to vector<1024x128xf32>
    %add3A = arith.addf %get3A_6, %get3A_11 : vector<1024x128xf32>
    %get3A_12 = arith.constant 0 : index
    %get3A_13 = arith.constant 0 : index
    %get3A_14 = vector.load %arg2[%get3A_12, %get3A_13] : memref<1024x128xf32, #tpu.memory_space<vmem>>, vector<1024x128xf32>
    %add3A_15 = arith.addf %add3A, %get3A_14 : vector<1024x128xf32>
    %mul3A = vector.broadcast %get3A_1 : vector<1024x1xf32> to vector<1024x128xf32>
    %mul3A_16 = arith.mulf %mul3A, %add3A_15 : vector<1024x128xf32>
    %get3A_17 = arith.constant 0 : index
    %get3A_18 = arith.constant 0 : index
    %get3A_19 = vector.load %arg4[%get3A_17, %get3A_18] : memref<1x128xf32, #tpu.memory_space<vmem>>, vector<1x128xf32>
    %add3A_20 = vector.broadcast %get3A_19 : vector<1x128xf32> to vector<1024x128xf32>
    %add3A_21 = arith.addf %mul3A_16, %add3A_20 : vector<1024x128xf32>
    %ge3A = arith.constant 0.000000e+00 : f32
    %ge3A_22 = vector.broadcast %ge3A : f32 to vector<1024x128xf32>
    %ge3A_23 = arith.cmpf oge, %add3A_21, %ge3A_22 : vector<1024x128xf32>
    %mul3A_24 = arith.constant 3.000000e-02 : f32
    %mul3A_25 = vector.broadcast %mul3A_24 : f32 to vector<1024x128xf32>
    %mul3A_26 = arith.mulf %mul3A_25, %add3A_21 : vector<1024x128xf32>
    %select_n3A = arith.select %ge3A_23, %add3A_21, %mul3A_26 : vector<1024x128xi1>, vector<1024x128xf32>
    %get3A_27 = arith.constant 0 : index
    %get3A_28 = arith.constant 0 : index
    %get3A_29 = vector.load %arg5[%get3A_27, %get3A_28] : memref<128x128xf32, #tpu.memory_space<vmem>>, vector<128x128xf32>
    %dot_general3A = arith.constant dense<0.000000e+00> : vector<1024x128xf32>
    %dot_general3A_30 = tpu.matmul %select_n3A, %get3A_29, %dot_general3A {dimension_numbers = #tpu.dot_dimension_numbers<[1], [0], [0], [1], [0, 0, 1, 1], [], []>, transpose_lhs_hint = false} : vector<1024x128xf32>, vector<128x128xf32>, vector<1024x128xf32> -> vector<1024x128xf32>
    %get3A_31 = arith.constant 0 : index
    %get3A_32 = arith.constant 0 : index
    %get3A_33 = vector.load %arg3[%get3A_31, %get3A_32] : memref<1024x1xf32, #tpu.memory_space<vmem>>, vector<1024x1xf32>
    %mul3A_34 = vector.broadcast %get3A_33 : vector<1024x1xf32> to vector<1024x128xf32>
    %mul3A_35 = arith.mulf %dot_general3A_30, %mul3A_34 : vector<1024x128xf32>
    %swap3A = arith.constant 0 : index
    %swap3A_36 = arith.constant 0 : index
    %swap3A_37 = vector.load %arg6[%swap3A, %swap3A_36] : memref<1024x128xf32, #tpu.memory_space<vmem>>, vector<1024x128xf32>
    tpu.vector_store %arg6[%swap3A, %swap3A_36], %mul3A_35 {strides = array<i32>} : memref<1024x128xf32, #tpu.memory_space<vmem>>, vector<1024x128xf32>,
    return
  }
  func.func @transform_0(%arg0: i32) -> (i32, i32, i32) {
    %c0_i32 = arith.constant 0 : i32
    %c0_i32_0 = arith.constant 0 : i32
    %c0_i32_1 = arith.constant 0 : i32
    return %c0_i32, %arg0, %c0_i32_0 : i32, i32, i32
  }
  func.func @transform_1(%arg0: i32) -> (i32, i32) {
    %c0_i32 = arith.constant 0 : i32
    %c0_i32_0 = arith.constant 0 : i32
    return %arg0, %c0_i32 : i32, i32
  }
  func.func @transform_2(%arg0: i32) -> (i32, i32) {
    %c0_i32 = arith.constant 0 : i32
    %c0_i32_0 = arith.constant 0 : i32
    return %arg0, %c0_i32 : i32, i32
  }
  func.func @transform_3(%arg0: i32) -> (i32, i32) {
    %c0_i32 = arith.constant 0 : i32
    %c0_i32_0 = arith.constant 0 : i32
    %c0_i32_1 = arith.constant 0 : i32
    return %c0_i32, %c0_i32_0 : i32, i32
  }
  func.func @transform_4(%arg0: i32) -> (i32, i32) {
    %c0_i32 = arith.constant 0 : i32
    %c0_i32_0 = arith.constant 0 : i32
    %c0_i32_1 = arith.constant 0 : i32
    return %c0_i32, %c0_i32_0 : i32, i32
  }
  func.func @transform_5(%arg0: i32) -> (i32, i32) {
    %c0_i32 = arith.constant 0 : i32
    %c0_i32_0 = arith.constant 0 : i32
    return %arg0, %c0_i32 : i32, i32
  }
}

module attributes {stable_mosaic.version = 14 : i64} {
  func.func @_pool_body(%arg0: i32, %arg1: memref<2x1024x128xf32, #tpu.memory_space<vmem>>, %arg2: memref<1024x128xf32, #tpu.memory_space<vmem>>, %arg3: memref<1024x1xf32, #tpu.memory_space<vmem>>, %arg4: memref<1x128xf32, #tpu.memory_space<vmem>>, %arg5: memref<128x2xf32, #tpu.memory_space<vmem>>, %arg6: memref<1x2xf32, #tpu.memory_space<vmem>>, %arg7: memref<1x2xf32, #tpu.memory_space<vmem>>, %arg8: memref<1x128xf32, #tpu.memory_space<vmem>>) attributes {dimension_semantics = [#tpu.dimension_semantics<arbitrary>], iteration_bounds = array<i64: 10>, scalar_prefetch = 0 : i64, scratch_operands = 1 : i64, tpu.core_type = #tpu.core_type<tc>, window_params = [{transform_indices = @transform_0, window_bounds = array<i64: 2, 1024, 128>}, {transform_indices = @transform_1, window_bounds = array<i64: 1024, 128>}, {transform_indices = @transform_2, window_bounds = array<i64: 1024, 1>}, {pipeline_mode = #tpu.pipeline_mode<synchronous>, transform_indices = @transform_3, window_bounds = array<i64: 1, 128>}, {pipeline_mode = #tpu.pipeline_mode<synchronous>, transform_indices = @transform_4, window_bounds = array<i64: 128, 2>}, {pipeline_mode = #tpu.pipeline_mode<synchronous>, transform_indices = @transform_5, window_bounds = array<i64: 1, 2>}, {pipeline_mode = #tpu.pipeline_mode<synchronous>, transform_indices = @transform_6, window_bounds = array<i64: 1, 2>}]} {
    %get3A = arith.constant 0 : index
    %get3A_0 = arith.constant 0 : index
    %get3A_1 = vector.load %arg3[%get3A, %get3A_0] : memref<1024x1xf32, #tpu.memory_space<vmem>>, vector<1024x1xf32>
    %get3A_2 = arith.constant 0 : index
    %get3A_3 = arith.constant 0 : index
    %get3A_4 = arith.constant 0 : index
    %get3A_5 = vector.load %arg1[%get3A_2, %get3A_3, %get3A_4] : memref<2x1024x128xf32, #tpu.memory_space<vmem>>, vector<1x1024x128xf32>
    %get3A_6 = vector.shape_cast %get3A_5 : vector<1x1024x128xf32> to vector<1024x128xf32>
    %get3A_7 = arith.constant 1 : index
    %get3A_8 = arith.constant 0 : index
    %get3A_9 = arith.constant 0 : index
    %get3A_10 = vector.load %arg1[%get3A_7, %get3A_8, %get3A_9] : memref<2x1024x128xf32, #tpu.memory_space<vmem>>, vector<1x1024x128xf32>
    %get3A_11 = vector.shape_cast %get3A_10 : vector<1x1024x128xf32> to vector<1024x128xf32>
    %add3A = arith.addf %get3A_6, %get3A_11 : vector<1024x128xf32>
    %get3A_12 = arith.constant 0 : index
    %get3A_13 = arith.constant 0 : index
    %get3A_14 = vector.load %arg2[%get3A_12, %get3A_13] : memref<1024x128xf32, #tpu.memory_space<vmem>>, vector<1024x128xf32>
    %add3A_15 = arith.addf %add3A, %get3A_14 : vector<1024x128xf32>
    %mul3A = vector.broadcast %get3A_1 : vector<1024x1xf32> to vector<1024x128xf32>
    %mul3A_16 = arith.mulf %mul3A, %add3A_15 : vector<1024x128xf32>
    %get3A_17 = arith.constant 0 : index
    %get3A_18 = arith.constant 0 : index
    %get3A_19 = vector.load %arg4[%get3A_17, %get3A_18] : memref<1x128xf32, #tpu.memory_space<vmem>>, vector<1x128xf32>
    %add3A_20 = vector.broadcast %get3A_19 : vector<1x128xf32> to vector<1024x128xf32>
    %add3A_21 = arith.addf %mul3A_16, %add3A_20 : vector<1024x128xf32>
    %ge3A = arith.constant 0.000000e+00 : f32
    %ge3A_22 = vector.broadcast %ge3A : f32 to vector<1024x128xf32>
    %ge3A_23 = arith.cmpf oge, %add3A_21, %ge3A_22 : vector<1024x128xf32>
    %mul3A_24 = arith.constant 3.000000e-02 : f32
    %mul3A_25 = vector.broadcast %mul3A_24 : f32 to vector<1024x128xf32>
    %mul3A_26 = arith.mulf %mul3A_25, %add3A_21 : vector<1024x128xf32>
    %select_n3A = arith.select %ge3A_23, %add3A_21, %mul3A_26 : vector<1024x128xi1>, vector<1024x128xf32>
    %mul3A_27 = arith.constant 1024 : i32
    %mul3A_28 = arith.muli %arg0, %mul3A_27 : i32
    %iota3A = tpu.iota {dimensions = array<i32: 0>} : vector<1024x1xi32>
    %add3A_29 = vector.broadcast %mul3A_28 : i32 to vector<1024x1xi32>
    %add3A_30 = arith.addi %add3A_29, %iota3A : vector<1024x1xi32>
    %lt3A = arith.constant 10000 : i32
    %lt3A_31 = vector.broadcast %lt3A : i32 to vector<1024x1xi32>
    %lt3A_32 = arith.cmpi slt, %add3A_30, %lt3A_31 : vector<1024x1xi32>
    %jit3A = arith.constant 0.000000e+00 : f32
    %broadcast_in_dim3A = vector.shape_cast %lt3A_32 : vector<1024x1xi1> to vector<1024x1xi1>
    %broadcast_in_dim3A_33 = vector.broadcast %broadcast_in_dim3A : vector<1024x1xi1> to vector<1024x128xi1>
    %broadcast_in_dim3A_34 = vector.broadcast %jit3A : f32 to vector<1024x128xf32>
    %select_n3A_35 = arith.select %broadcast_in_dim3A_33, %select_n3A, %broadcast_in_dim3A_34 : vector<1024x128xi1>, vector<1024x128xf32>
    %reduce_sum3A = arith.constant dense<0.000000e+00> : vector<128xf32>
    %reduce_sum3A_36 = vector.multi_reduction <add>, %select_n3A_35, %reduce_sum3A [0] : vector<1024x128xf32> to vector<128xf32>
    %broadcast_in_dim3A_37 = vector.shape_cast %reduce_sum3A_36 : vector<128xf32> to vector<1x128xf32>
    %eq3A = arith.constant 0 : i32
    %eq3A_38 = arith.cmpi eq, %arg0, %eq3A : i32
    %convert_element_type3A = arith.extui %eq3A_38 : i1 to i32
    %cond3A = arith.constant 0 : i32
    %cond3A_39 = arith.cmpi ne, %convert_element_type3A, %cond3A : i32
    scf.if %cond3A_39 {
      %swap3A = arith.constant 0 : index
      %swap3A_49 = arith.constant 0 : index
      %swap3A_50 = vector.load %arg8[%swap3A, %swap3A_49] : memref<1x128xf32, #tpu.memory_space<vmem>>, vector<1x128xf32>
      tpu.vector_store %arg8[%swap3A, %swap3A_49], %broadcast_in_dim3A_37 {strides = array<i32>} : memref<1x128xf32, #tpu.memory_space<vmem>>, vector<1x128xf32>,
    } else {
    }
    %gt3A = arith.constant 0 : i32
    %gt3A_40 = arith.cmpi sgt, %arg0, %gt3A : i32
    %convert_element_type3A_41 = arith.extui %gt3A_40 : i1 to i32
    %cond3A_42 = arith.constant 0 : i32
    %cond3A_43 = arith.cmpi ne, %convert_element_type3A_41, %cond3A_42 : i32
    scf.if %cond3A_43 {
      %get3A_49 = arith.constant 0 : index
      %get3A_50 = arith.constant 0 : index
      %get3A_51 = vector.load %arg8[%get3A_49, %get3A_50] : memref<1x128xf32, #tpu.memory_space<vmem>>, vector<1x128xf32>
      %add3A_52 = arith.addf %get3A_51, %broadcast_in_dim3A_37 : vector<1x128xf32>
      %swap3A = arith.constant 0 : index
      %swap3A_53 = arith.constant 0 : index
      %swap3A_54 = vector.load %arg8[%swap3A, %swap3A_53] : memref<1x128xf32, #tpu.memory_space<vmem>>, vector<1x128xf32>
      tpu.vector_store %arg8[%swap3A, %swap3A_53], %add3A_52 {strides = array<i32>} : memref<1x128xf32, #tpu.memory_space<vmem>>, vector<1x128xf32>,
    } else {
    }
    %eq3A_44 = arith.constant 9 : i32
    %eq3A_45 = arith.cmpi eq, %arg0, %eq3A_44 : i32
    %convert_element_type3A_46 = arith.extui %eq3A_45 : i1 to i32
    %cond3A_47 = arith.constant 0 : i32
    %cond3A_48 = arith.cmpi ne, %convert_element_type3A_46, %cond3A_47 : i32
    scf.if %cond3A_48 {
      %get3A_49 = arith.constant 0 : index
      %get3A_50 = arith.constant 0 : index
      %get3A_51 = vector.load %arg8[%get3A_49, %get3A_50] : memref<1x128xf32, #tpu.memory_space<vmem>>, vector<1x128xf32>
      %mul3A_52 = arith.constant 9.99999974E-5 : f32
      %mul3A_53 = vector.broadcast %mul3A_52 : f32 to vector<1x128xf32>
      %mul3A_54 = arith.mulf %get3A_51, %mul3A_53 : vector<1x128xf32>
      %get3A_55 = arith.constant 0 : index
      %get3A_56 = arith.constant 0 : index
      %get3A_57 = vector.load %arg5[%get3A_55, %get3A_56] : memref<128x2xf32, #tpu.memory_space<vmem>>, vector<128x2xf32>
      %dot_general3A = arith.constant dense<0.000000e+00> : vector<1x2xf32>
      %dot_general3A_58 = tpu.matmul %mul3A_54, %get3A_57, %dot_general3A {dimension_numbers = #tpu.dot_dimension_numbers<[1], [0], [0], [1], [0, 0, 1, 1], [], []>, transpose_lhs_hint = false} : vector<1x128xf32>, vector<128x2xf32>, vector<1x2xf32> -> vector<1x2xf32>
      %get3A_59 = arith.constant 0 : index
      %get3A_60 = arith.constant 0 : index
      %get3A_61 = vector.load %arg6[%get3A_59, %get3A_60] : memref<1x2xf32, #tpu.memory_space<vmem>>, vector<1x2xf32>
      %add3A_62 = arith.addf %dot_general3A_58, %get3A_61 : vector<1x2xf32>
      %swap3A = arith.constant 0 : index
      %swap3A_63 = arith.constant 0 : index
      %swap3A_64 = vector.load %arg7[%swap3A, %swap3A_63] : memref<1x2xf32, #tpu.memory_space<vmem>>, vector<1x2xf32>
      tpu.vector_store %arg7[%swap3A, %swap3A_63], %add3A_62 {strides = array<i32>} : memref<1x2xf32, #tpu.memory_space<vmem>>, vector<1x2xf32>,
    } else {
    }
    return
  }
  func.func @transform_0(%arg0: i32) -> (i32, i32, i32) {
    %c0_i32 = arith.constant 0 : i32
    %c0_i32_0 = arith.constant 0 : i32
    %c0_i32_1 = arith.constant 0 : i32
    return %c0_i32, %arg0, %c0_i32_0 : i32, i32, i32
  }
  func.func @transform_1(%arg0: i32) -> (i32, i32) {
    %c0_i32 = arith.constant 0 : i32
    %c0_i32_0 = arith.constant 0 : i32
    return %arg0, %c0_i32 : i32, i32
  }
  func.func @transform_2(%arg0: i32) -> (i32, i32) {
    %c0_i32 = arith.constant 0 : i32
    %c0_i32_0 = arith.constant 0 : i32
    return %arg0, %c0_i32 : i32, i32
  }
  func.func @transform_3(%arg0: i32) -> (i32, i32) {
    %c0_i32 = arith.constant 0 : i32
    %c0_i32_0 = arith.constant 0 : i32
    %c0_i32_1 = arith.constant 0 : i32
    return %c0_i32, %c0_i32_0 : i32, i32
  }
  func.func @transform_4(%arg0: i32) -> (i32, i32) {
    %c0_i32 = arith.constant 0 : i32
    %c0_i32_0 = arith.constant 0 : i32
    %c0_i32_1 = arith.constant 0 : i32
    return %c0_i32, %c0_i32_0 : i32, i32
  }
  func.func @transform_5(%arg0: i32) -> (i32, i32) {
    %c0_i32 = arith.constant 0 : i32
    %c0_i32_0 = arith.constant 0 : i32
    %c0_i32_1 = arith.constant 0 : i32
    return %c0_i32, %c0_i32_0 : i32, i32
  }
  func.func @transform_6(%arg0: i32) -> (i32, i32) {
    %c0_i32 = arith.constant 0 : i32
    %c0_i32_0 = arith.constant 0 : i32
    %c0_i32_1 = arith.constant 0 : i32
    return %c0_i32, %c0_i32_0 : i32, i32
  }
}

</mosaic_0001>

<sc_bundles>
// kernel: kernel.12.cloned.1.call-start
scs
__scs_entry_jumppad:
0x0: {  	(pc) =	sbr.rel $0x88, $3  }
0x1: {  	(tag) =	ssettag $0x0;
	lr =	simm.s32 $0x1  }
0x2: {  	[smem:$0x3F99] =	sst lr;
	_ =	strace $0xD0000000  }
0x3: {  	_ = 	snop  }
0x4: {  	_ = 	snop  }
0x5: {  	_ = 	snop  }
0x6: {  	_ = 	snop  }
0x7: {  	_ = 	snop  }
__scs_overlays_trampoline_lowered:
0x8: {  	[smem:$0x3FA8] =	sst s0  }
0x9: {  	[smem:$0x3FA9] =	sst s1  }
0xa: {  	[smem:$0x3FAA] =	sst s2  }
0xb: {  	[smem:$0x3FAB] =	sst s3  }
0xc: {  	[smem:$0x3FAC] =	sst s4  }
0xd: {  	[smem:$0x3FAD] =	sst s5  }
0xe: {  	[smem:$0x3FAE] =	sst s6  }
0xf: {  	[smem:$0x3FAF] =	sst s7  }
0x10: {  	[smem:$0x3FB0] =	sst s8  }
0x11: {  	[smem:$0x3FB1] =	sst s9;
	s0 =	simm.s32 @!p0 $0x0  }
0x12: {  	s1 =	sld [smem:$0x3F97];
	s0 =	simm.s32 @p0 $0x1  }
0x13: {  	[smem:$0x3FB2] =	sst s0;
	s0 =	simm.s32 @!p1 $0x0  }
0x14: {  	s2 =	sld [smem:$0x3F96];
	s0 =	simm.s32 @p1 $0x1  }
0x15: {  	[smem:$0x3FB3] =	sst s0;
	s0 =	simm.s32 @!p2 $0x0  }
0x16: {  	s3 =	sld [smem:$0x3FDB];
	s0 =	simm.s32 @p2 $0x1  }
0x17: {  	s4 =	simm.s32 $0x1BF5;
	[smem:$0x3FB5] =	sst s0  }
0x18: {  	s0 =	sld [smem:$0x3F98];
	_ =	swait.ge [sflag:s4], $0x0  }
0x19: {  	s7 =	sld [smem:$0x3F99]  }
0x1a: {  	s8 =	sadd.s32 $0xFFFFE003, lr  }
0x1b: {  	s9 =	sadd.s32 $0xFFFFFEF7, lr;
	s5 =	simm.s32 $0xFFFFFFFF;
	p2 =	slt.u32 s8, $0xFFFFF086  }
0x1c: {  	p1 =	slt.u32 s9, $0xF7A;
	s5 =	simm.s32 @!p2 $0x0  }
0x1d: {  	s5 =	simm.s32 @p1 $0x1;
	p0 =	seq.s32 s7, s2  }
0x1e: {  	s7 =	smul.u32 @!p0 $0xF7A, s2;
	p2 =	seq.s32 @!p0 s5, $0x0  }
0x1f: {  	s9 =	smul.u32 $0xF7A, s1;
	s8 =	simm.s32 @!p0 $0x1BF5;
	p2 =	por !p2, p0  }
0x20: {  	[sflag:s8] =	ssyncset.s32 @!p0 $0xFFFFF086;
	s6 =	sadd.s32 @!p0 s3, s7;
	s7 =	simm.s32 @!p0 $0x108  }
0x21: {  	s3 =	sadd.s32 s3, s9;
	s6 =	sadd.s32 @!p0 $0x88, s6;
	s7 =	simm.s32 @p2 $0x1082  }
0x22: {  	[simem:s7], [sflag:s8] =	dma.local @!p0 [hbm:s6], $0xF7A  }
0x23: {  	s9 =	sor.u32 $0xD0000000, s2;
	s6 =	simm.s32 $0x108;
	_ =	swait.ge @!p0 [sflag:s8], $0x0  }
0x24: {  	s3 =	sadd.s32 $0x88, s3;
	s6 =	simm.s32 @!p1 $0x1082;
	[sflag:s4] =	ssyncset.s32 $0xFFFFF086  }
0x25: {  	[simem:s6], [sflag:s4] =	dma.local [hbm:s3], $0xF7A  }
0x26: {  	[smem:$0x3F99] =	sst s1;
	(tag) =	ssettag s2;
	_ =	strace s9  }
0x27: {  	s1 =	sld [smem:$0x3FA9]  }
0x28: {  	s2 =	sld [smem:$0x3FAA]  }
0x29: {  	s4 =	sld [smem:$0x3FAC]  }
0x2a: {  	p0 =	seq.s32 s5, $0x0;
	s5 =	sld [smem:$0x3FAD]  }
0x2b: {  	s6 =	sld [smem:$0x3FAE]  }
0x2c: {  	s7 =	sld [smem:$0x3FAF]  }
0x2d: {  	s3 =	simm.s32 $0x108;
	s8 =	sld [smem:$0x3FB0]  }
0x2e: {  	s3 =	simm.s32 @!p0 $0x1082;
	s9 =	sld [smem:$0x3FB1]  }
0x2f: {  	lr =	sadd.s32 s0, s3;
	s0 =	sld [smem:$0x3FA8]  }
0x30: {  	s3 =	sld [smem:$0x3FAB]  }
0x31: {  	[smem:$0x3FB4] =	sst s10  }
0x32: {  	s10 =	sld [smem:$0x3FB2];
	_ =	sdelay $0x3  }
0x33: {  	p0 =	seq.s32 s10, $0x1;
	s10 =	sld [smem:$0x3FB4];
	_ =	sdelay $0x3  }
0x34: {  	[smem:$0x3FB4] =	sst s10  }
0x35: {  	s10 =	sld [smem:$0x3FB3];
	_ =	sdelay $0x3  }
0x36: {  	p1 =	seq.s32 s10, $0x1;
	s10 =	sld [smem:$0x3FB4];
	_ =	sdelay $0x3  }
0x37: {  	[smem:$0x3FB4] =	sst s10  }
0x38: {  	s10 =	sld [smem:$0x3FB5]  }
0x39: {  	_ = 	snop;
	(pc) =	sbr.ind lr, $3  }
0x3a: {  	_ = 	snop  }
0x3b: {  	_ = 	snop  }
0x3c: {  	p2 =	seq.s32 s10, $0x1;
	s10 =	sld [smem:$0x3FB4]  }
0x3d: {  	_ =	shalt  }
0x3e: {  	_ =	shalt  }
0x3f: {  	_ =	shalt  }
0x40: {  	_ =	shalt  }
0x41: {  	_ =	shalt  }
0x42: {  	_ =	shalt  }
0x43: {  	_ =	shalt  }
0x44: {  	_ =	shalt  }
0x45: {  	_ =	shalt  }
0x46: {  	_ =	shalt  }
0x47: {  	_ =	shalt  }
0x48: {  	_ =	shalt  }
0x49: {  	_ =	shalt  }
0x4a: {  	_ =	shalt  }
0x4b: {  	_ =	shalt  }
0x4c: {  	_ =	shalt  }
0x4d: {  	_ =	shalt  }
0x4e: {  	_ =	shalt  }
0x4f: {  	_ =	shalt  }
0x50: {  	_ =	shalt  }
0x51: {  	_ =	shalt  }
0x52: {  	_ =	shalt  }
0x53: {  	_ =	shalt  }
0x54: {  	_ =	shalt  }
0x55: {  	_ =	shalt  }
0x56: {  	_ =	shalt  }
0x57: {  	_ =	shalt  }
0x58: {  	_ =	shalt  }
0x59: {  	_ =	shalt  }
0x5a: {  	_ =	shalt  }
0x5b: {  	_ =	shalt  }
0x5c: {  	_ =	shalt  }
0x5d: {  	_ =	shalt  }
0x5e: {  	_ =	shalt  }
0x5f: {  	_ =	shalt  }
0x60: {  	_ =	shalt  }
0x61: {  	_ =	shalt  }
0x62: {  	_ =	shalt  }
0x63: {  	_ =	shalt  }
0x64: {  	_ =	shalt  }
0x65: {  	_ =	shalt  }
0x66: {  	_ =	shalt  }
0x67: {  	_ =	shalt  }
0x68: {  	_ =	shalt  }
0x69: {  	_ =	shalt  }
0x6a: {  	_ =	shalt  }
0x6b: {  	_ =	shalt  }
0x6c: {  	_ =	shalt  }
0x6d: {  	_ =	shalt  }
0x6e: {  	_ =	shalt  }
0x6f: {  	_ =	shalt  }
0x70: {  	_ =	shalt  }
0x71: {  	_ =	shalt  }
0x72: {  	_ =	shalt  }
0x73: {  	_ =	shalt  }
0x74: {  	_ =	shalt  }
0x75: {  	_ =	shalt  }
0x76: {  	_ =	shalt  }
0x77: {  	_ =	shalt  }
0x78: {  	_ =	shalt  }
0x79: {  	_ =	shalt  }
0x7a: {  	_ =	shalt  }
0x7b: {  	_ =	shalt  }
0x7c: {  	_ =	shalt  }
0x7d: {  	_ =	shalt  }
0x7e: {  	_ =	shalt  }
0x7f: {  	_ =	shalt  }
0x80: {  	_ =	shalt  }
0x81: {  	_ =	shalt  }
0x82: {  	_ =	shalt  }
0x83: {  	_ =	shalt  }
0x84: {  	_ =	shalt  }
0x85: {  	_ =	shalt  }
0x86: {  	_ =	shalt  }
0x87: {  	_ =	shalt  }
.Lfunc_end0:
.L_simem_size_0:
called_computation.1_lowered:
.L_overlay_start_0:
0x88: {  	s2 =	sld [smem:$0x3FD9]  }
0x89: {  	s3 =	sld [smem:$0x3FFE];
	_ =	sdelay $0x1  }
0x8a: {  	s1 =	srdreg.scid  }
0x8b: {  	s0 =	sand.u32 $0x1, s1  }
0x8c: {  	s16 =	sshll.u32 s0, $0xA;
	s2 =	sadd.s32 s3, s2  }
0x8d: {  	s2 =	sadd.s32 s2, s16  }
0x8e: {  	[smem:$0x3FC0] =	sst s2  }
0x8f: {  	_ = 	snop  }
0x90: {  	(tm) =	ssettm $0x1  }
0x91: {  	s17 =	sld [smem:$0x3FFB];
	_ =	sdelay $0x3  }
0x92: {  	_ =	strace s17  }
0x93: {  	s2 =	sld [smem:$0x3FFC];
	_ =	sdelay $0x3  }
0x94: {  	_ =	strace s2  }
0x95: {  	s2 =	sld [smem:$0x3FFD];
	_ =	sdelay $0x3  }
0x96: {  	_ =	strace s2  }
0x97: {  	_ =	strace $0x8FFFFFFF  }
0x98: {  	s18 =	sld [smem:$0x3FDB];
	_ =	sdelay $0x1  }
0x99: {  	s19 =	simm.s32 $_scs_section_size  }
0x9a: {  	s4 =	simm.s32 $_size__tile_overlayer_lowered;
	s5 =	simm.s32 $_tile_overlayer_lowered  }
0x9b: {  	s22 =	simm.s32 $0x1BFF;
	s21 =	sshll.u32 s5, $0x1;
	s2 =	sadd.s32 s19, s18  }
0x9c: {  	s6 =	simm.s32 $0x0;
	s20 =	sshll.u32 s4, $0x1;
	s4 =	sadd.s32 s21, s2  }
0x9d: {  	[timem:s6], [sflag:s22] =	dma.local [hbm:s4], s20  }
0x9e: {  	_ =	swait.ge [sflag:s22], s20  }
0x9f: {  	s3 =	ssub.s32 $0x0, s20;
	[sflag:s22] =	ssyncset.done $0x0  }
0xa0: {  	[sflag:s22] =	ssyncadd.s32 s3;
	_ =	sdelay $0x1  }
0xa1: {  	s23 =	simm.s32 $0x1B8B  }
0xa2: {  	_ =	swait.ge [sflag:s23], $0x1  }
0xa3: {  	[sflag:s23] =	ssyncset.done $0x0  }
0xa4: {  	s25 =	simm.s32 $0x1B8E;
	s24 =	sld [smem:$0x3FFE];
	[sflag:s23] =	ssyncadd.s32 $0xFFFFFFFF  }
0xa5: {  	s26 =	simm.s32 $execute0_lowered;
	[smem:$0x3FD2] =	sst s25  }
0xa6: {  	s4 =	sshll.u32 s26, $0x1;
	_ =	strace $0x80000049;
	[dreg:$0x1] =	wrdreg $0xFFFFFFFF  }
0xa7: {  	s28 =	simm.s32 $_size_execute0_lowered;
	s2 =	sadd.s32 s2, s4;
	[dreg:$0x0] =	wrdreg $0x0  }
0xa8: {  	s4 =	sshll.u32 s28, $0x1;
	[dreg:$0x2] =	wrdreg s2  }
0xa9: {  	[dreg:$0x3] =	wrdreg s4  }
0xaa: {  	[dreg:$0x4] =	wrdreg $0xC0  }
0xab: {  	_ =	task [dreg:s6], $0x5FFFF  }
0xac: {  	[dreg:$0x1] =	wrdreg $0xFFFFFFFF  }
0xad: {  	[dreg:$0x0] =	wrdreg $0x60  }
0xae: {  	[dreg:$0x2] =	wrdreg s24  }
0xaf: {  	[dreg:$0x3] =	wrdreg $0x90000  }
0xb0: {  	[dreg:$0x4] =	wrdreg $0x9  }
0xb1: {  	_ =	task.clear_ibuf [dreg:s6], $0x5FFFF;
	_ =	strace $0x90000049  }
0xb2: {  	s29 =	simm.s32 $0x9;
	_ =	strace $0x8000004B  }
0xb3: {  	_ =	swait.ge [sflag:s29], $0x1  }
0xb4: {  	[sflag:s29] =	ssyncadd.s32 $0xFFFFFFFF  }
0xb5: {  	_ =	strace $0x9000004B  }
0xb6: {  	_ =	sfence  }
0xb7: {  	s30 =	sld [smem:$0x0];
	_ =	sdelay $0x2  }
0xb8: {  	s31 =	sshll.u32 s1, $0xD;
	s1 =	sshrl.u32 s1, $0x2  }
0xb9: {  	s3 =	sand.u32 $0x4000, s31;
	s1 =	sadd.s32 s1, s30  }
0xba: {  	s0 =	sor.u32 s3, s0;
	s1 =	sshll.u32 s1, $0x11  }
0xbb: {  	s0 =	sor.u32 s1, s0  }
0xbc: {  	s0 =	sadd.s32 $0x8F2B, s0  }
0xbd: {  	[sflag:s0] =	ssyncadd.remote.s32 $0x1  }
0xbe: {  	_ =	sfence.sel $0xFFFF  }
0xbf: {  	[dreg:$0x0] =	wrdreg $0xFFFFFFFF;
	(pc) =	sbr.abs _section_cstart, $3  }
0xc0: {  	[dreg:$0x1] =	wrdreg $0xFFFFFFFF  }
0xc1: {  	_ =	task.clear_ibuf [dreg:s6], $0x2FFFF;
	_ =	strace $0x9FFFFFFF  }
0xc2: {  	(tm) =	ssettm $0x7FFFFFFF  }
0xc3: {  	_ =	shalt  }
tec
execute0_lowered:
.L_overlay_start_1:
0x0: {  	(tag) =	ssettag $0x1  }
0x1: {  	s0 =	srdreg.scid;
	s6 =	rddreg [dreg:$0x0]  }
0x2: {  	s2 =	rddreg [dreg:$0x1];
	s5 =	sand.u32 $0x1, s0;
	s0 =	stileid.u32  }
0x3: {  	s3 =	simm.s32 $0x0;
	s14 =	simm.s32 $0x80;
	s8 =	smul.u32 $0x2800, s0  }
0x4: {  	s15 =	simm.s32 $0x5000;
	s16 =	simm.s32 $0x0;
	s9 =	smul.u32 $0x28000, s5  }
0x5: {  	[smem:$0x7FF] =	sst s3;
	s1 =	sshll.u32 s5, $0x4;
	s29 =	smul.u32 $0x50000, s0  }
0x6: {  	s5 =	ssub.s32 $0x2, s5;
	s31 =	sshll.u32 s0, $0x6;
	s4 =	sor.u32 s0, s1  }
0x7: {  	s1 =	rddreg [dreg:$0x2];
	_ =	strace $0x8000004A;
	s30 =	sshrl.u32 s5, $0x1  }
0x8: {  	s7 =	smul.u32 $0x500, s4;
	s11 =	sadd.s32 s8, s6;
	s8 =	sadd.s32 s8, s9  }
0x9: {  	s4 =	sadd.s32 $0x34A00, s6;
	s12 =	ssub.s32 s5, s30;
	s9 =	sadd.s32 s8, s6  }
0xa: {  	s5 =	sadd.s32 $0xCA00, s11;
	s10 =	sadd.s32 s7, s6;
	s7 =	sshrl.u32 s29, $0x2  }
0xb: {  	s6 =	sor.u32 $0x1C01, s31;
	s9 =	sadd.s32 $0x8F200, s9;
	s13 =	sadd.s32 s7, s2  }
0xc: {  	s7 =	sadd.s32 $0x85200, s10;
	s8 =	sadd.s32 $0x2A00, s10;
	s10 =	smax.u32 s12, $0x1  }
0xd: {  	s12 =	simm.s32 $0x1;
	s11 =	sshrl.u32 s13, $0x3;
	s13 =	simm.s32 $0x2800  }
.LBB2_1:
0xe: {  	[spmem:s11], [sflag:s6] =	dma.local [hbm:s5], $0x2800  }
0xf: {  	_ =	swait.ge [sflag:s12], $0x2800  }
0x10: {  	[sflag:s12] =	ssyncset.done $0x0  }
0x11: {  	[sflag:s12] =	ssyncadd.s32 $0xFFFFD800  }
0x12: {  	[tilespmem:s3], [sflag:$0x1] =	stream.linear.gather [hbm4b:s7+s3], $0x2780, $0x38;
	[tilespmem:$0x1D000] =	vst v63  }
0x13: {  	_ =	swait.ge [sflag:s12], $0x2780  }
0x14: {  	[sflag:s12] =	ssyncset.done $0x0  }
0x15: {  	[sflag:s12] =	ssyncadd.s32 $0xFFFFD880  }
0x16: {  	[tilespmem:s13], [sflag:$0x1] =	stream.linear.gather [hbm4b:s8+s3], $0x2780, $0x38;
	[tilespmem:$0x1D000] =	vst v63  }
0x17: {  	_ =	swait.ge [sflag:s12], $0x2780  }
0x18: {  	[sflag:s12] =	ssyncset.done $0x0  }
0x19: {  	[sflag:s12] =	ssyncadd.s32 $0xFFFFD880  }
0x1a: {  	s17 =	simm.s32 $0x0;
	[bflag:$0x0] =	sbarrier.arrive $0xFFFF  }
0x1b: {  	[tilespmem:s15], [sflag:$0x1] =	stream.indirect.gather [hbm4b:s4+s14], $0x80, s17, s14, $0xb8;
	[tilespmem:$0x1D000] =	vst v63  }
0x1c: {  	_ =	swait.ge [sflag:s12], $0x4000  }
0x1d: {  	[sflag:s12] =	ssyncset.done $0x0  }
0x1e: {  	s31 =	simm.s32 $0x2800;
	[sflag:s12] =	ssyncadd.s32 $0xFFFFC000  }
0x1f: {  	[spmem:s2] =	stream.indirect.scatter.add.f32 [tilespmem:s15], [sflag:$0x1], $0x80, s31, s14, $0xb8;
	[tilespmem:$0x1D000] =	vst v63  }
0x20: {  	_ =	swait.ge [sflag:s12], $0x4000  }
0x21: {  	s18 =	simm.s32 $0x400;
	s17 =	simm.s32 $0x200;
	[sflag:s12] =	ssyncset.done $0x0  }
.LBB2_2:
0x22: {  	s19 =	sshra.s32 s17, $0x2  }
0x23: {  	[sflag:s12] =	ssyncadd.s32 $0xFFFFC000;
	s17 =	smov.u32 s18;
	s20 =	sadd.s32 $0x200, s18  }
0x24: {  	[tilespmem:s15], [sflag:$0x1] =	stream.indirect.gather [hbm4b:s4+s14], $0x80, s19, s14, $0xb8;
	[tilespmem:$0x1D000] =	vst v63  }
0x25: {  	p0 =	sne.s32 s18, $0x9C00;
	_ =	swait.ge [sflag:s12], $0x4000  }
.Ltmp0:
0x26: {  	[sflag:s12] =	ssyncset.done $0x0;
	(pc) =	sbr.rel @p0 .LBB2_2-.Ltmp0, $4  }
0x27: {  	s18 =	sadd.s32 $0x2800, s19;
	[sflag:s12] =	ssyncadd.s32 $0xFFFFC000  }
0x28: {  	[spmem:s2] =	stream.indirect.scatter.add.f32 [tilespmem:s15], [sflag:$0x1], $0x80, s18, s14, $0xb8;
	[tilespmem:$0x1D000] =	vst v63  }
0x29: {  	_ =	swait.ge [sflag:s12], $0x4000  }
0x2a: {  	s18 =	smov.u32 s20;
	[sflag:s12] =	ssyncset.done $0x0  }
0x2b: {  	s17 =	sshra.s32 s17, $0x2;
	[sflag:s12] =	ssyncadd.s32 $0xFFFFC000  }
0x2c: {  	[tilespmem:s15], [sflag:$0x1] =	stream.indirect.gather [hbm4b:s4+s14], $0x80, s17, s14, $0xb8;
	[tilespmem:$0x1D000] =	vst v63  }
0x2d: {  	_ =	swait.ge [sflag:s12], $0x4000  }
0x2e: {  	[sflag:s12] =	ssyncset.done $0x0  }
0x2f: {  	s17 =	sadd.s32 $0x2800, s17;
	[sflag:s12] =	ssyncadd.s32 $0xFFFFC000  }
0x30: {  	[spmem:s2] =	stream.indirect.scatter.add.f32 [tilespmem:s15], [sflag:$0x1], $0x80, s17, s14, $0xb8;
	[tilespmem:$0x1D000] =	vst v63  }
0x31: {  	_ =	swait.ge [sflag:s12], $0x4000  }
0x32: {  	s16 =	sadd.s32 $0x1, s16;
	[sflag:s12] =	ssyncset.done $0x0  }
0x33: {  	p0 =	sne.s32 s16, s10;
	[sflag:s12] =	ssyncadd.s32 $0xFFFFC000  }
.Ltmp1:
0x34: {  	[bflag:$0x0] =	sbarrier.arrive $0xFFFF;
	(pc) =	sbr.rel @p0 .LBB2_1-.Ltmp1, $4  }
0x35: {  	[hbm:s9], [sflag:s6] =	dma.local [spmem:s11], $0x2800  }
0x36: {  	_ =	swait.ge [sflag:s12], $0x2800  }
0x37: {  	[sflag:s12] =	ssyncset.done $0x0  }
0x38: {  	[sflag:s12] =	ssyncadd.s32 $0xFFFFD800  }
0x39: {  	_ =	sfence.sel $0x180000  }
0x3a: {  	[bflag:$0x0] =	sbarrier.arrive $0xFFFF  }
0x3b: {  	p0 =	sne.s32 s0, $0x0;
	_ =	strace $0x9000004A  }
0x3c: {  	s0 =	sadd.s32 @!p0 $0x100000, s1;
	[bflag:$0x2] =	sbarrier.arrive $0xFFFF  }
0x3d: {  	[sflag:s0] =	ssyncadd.tile.s32 @!p0 $0x1;
	_ =	shalt  }
.Lfunc_end2:
_tile_overlayer_lowered:
.L_overlay_start_2:
0x3e: {  	(tag) =	ssettag $0x2  }
0x3f: {  	s0 =	rddreg [dreg:$0x0];
	s2 =	stileid.u32  }
0x40: {  	s1 =	rddreg [dreg:$0x1];
	p0 =	sne.s32 s2, $0x0  }
0x41: {  	s3 =	rddreg [dreg:$0x2];
	[bflag:$0x3] =	sbarrier.arrive $0xFFFF;
	s2 =	simm.s32 @!p0 $0x1C01  }
0x42: {  	[timem:s3], [sflag:s2] =	dma.local @!p0 [hbm:s0], s1  }
0x43: {  	s0 =	simm.s32 @!p0 $0x1  }
0x44: {  	_ =	swait.ge @!p0 [sflag:s0], s1  }
0x45: {  	s1 =	ssub.s32 @!p0 $0x0, s1;
	[sflag:s0] =	ssyncset.done @!p0 $0x0  }
0x46: {  	[sflag:s0] =	ssyncadd.s32 @!p0 s1  }
0x47: {  	[bflag:$0x3] =	sbarrier.arrive $0xFFFF  }
0x48: {  	_ =	shalt  }

// kernel: kernel.15.cloned.1.call-start
scs
__scs_entry_jumppad:
0x0: {  	(pc) =	sbr.rel $0x88, $3  }
0x1: {  	(tag) =	ssettag $0x0;
	lr =	simm.s32 $0x1  }
0x2: {  	[smem:$0x3F99] =	sst lr;
	_ =	strace $0xD0000000  }
0x3: {  	_ = 	snop  }
0x4: {  	_ = 	snop  }
0x5: {  	_ = 	snop  }
0x6: {  	_ = 	snop  }
0x7: {  	_ = 	snop  }
__scs_overlays_trampoline_lowered:
0x8: {  	[smem:$0x3FA8] =	sst s0  }
0x9: {  	[smem:$0x3FA9] =	sst s1  }
0xa: {  	[smem:$0x3FAA] =	sst s2  }
0xb: {  	[smem:$0x3FAB] =	sst s3  }
0xc: {  	[smem:$0x3FAC] =	sst s4  }
0xd: {  	[smem:$0x3FAD] =	sst s5  }
0xe: {  	[smem:$0x3FAE] =	sst s6  }
0xf: {  	[smem:$0x3FAF] =	sst s7  }
0x10: {  	[smem:$0x3FB0] =	sst s8  }
0x11: {  	[smem:$0x3FB1] =	sst s9;
	s0 =	simm.s32 @!p0 $0x0  }
0x12: {  	s1 =	sld [smem:$0x3F97];
	s0 =	simm.s32 @p0 $0x1  }
0x13: {  	[smem:$0x3FB2] =	sst s0;
	s0 =	simm.s32 @!p1 $0x0  }
0x14: {  	s2 =	sld [smem:$0x3F96];
	s0 =	simm.s32 @p1 $0x1  }
0x15: {  	[smem:$0x3FB3] =	sst s0;
	s0 =	simm.s32 @!p2 $0x0  }
0x16: {  	s3 =	sld [smem:$0x3FDB];
	s0 =	simm.s32 @p2 $0x1  }
0x17: {  	s4 =	simm.s32 $0x1BF5;
	[smem:$0x3FB5] =	sst s0  }
0x18: {  	s0 =	sld [smem:$0x3F98];
	_ =	swait.ge [sflag:s4], $0x0  }
0x19: {  	s7 =	sld [smem:$0x3F99]  }
0x1a: {  	s8 =	sadd.s32 $0xFFFFE003, lr  }
0x1b: {  	s9 =	sadd.s32 $0xFFFFFEF7, lr;
	s5 =	simm.s32 $0xFFFFFFFF;
	p2 =	slt.u32 s8, $0xFFFFF086  }
0x1c: {  	p1 =	slt.u32 s9, $0xF7A;
	s5 =	simm.s32 @!p2 $0x0  }
0x1d: {  	s5 =	simm.s32 @p1 $0x1;
	p0 =	seq.s32 s7, s2  }
0x1e: {  	s7 =	smul.u32 @!p0 $0xF7A, s2;
	p2 =	seq.s32 @!p0 s5, $0x0  }
0x1f: {  	s9 =	smul.u32 $0xF7A, s1;
	s8 =	simm.s32 @!p0 $0x1BF5;
	p2 =	por !p2, p0  }
0x20: {  	[sflag:s8] =	ssyncset.s32 @!p0 $0xFFFFF086;
	s6 =	sadd.s32 @!p0 s3, s7;
	s7 =	simm.s32 @!p0 $0x108  }
0x21: {  	s3 =	sadd.s32 s3, s9;
	s6 =	sadd.s32 @!p0 $0x88, s6;
	s7 =	simm.s32 @p2 $0x1082  }
0x22: {  	[simem:s7], [sflag:s8] =	dma.local @!p0 [hbm:s6], $0xF7A  }
0x23: {  	s9 =	sor.u32 $0xD0000000, s2;
	s6 =	simm.s32 $0x108;
	_ =	swait.ge @!p0 [sflag:s8], $0x0  }
0x24: {  	s3 =	sadd.s32 $0x88, s3;
	s6 =	simm.s32 @!p1 $0x1082;
	[sflag:s4] =	ssyncset.s32 $0xFFFFF086  }
0x25: {  	[simem:s6], [sflag:s4] =	dma.local [hbm:s3], $0xF7A  }
0x26: {  	[smem:$0x3F99] =	sst s1;
	(tag) =	ssettag s2;
	_ =	strace s9  }
0x27: {  	s1 =	sld [smem:$0x3FA9]  }
0x28: {  	s2 =	sld [smem:$0x3FAA]  }
0x29: {  	s4 =	sld [smem:$0x3FAC]  }
0x2a: {  	p0 =	seq.s32 s5, $0x0;
	s5 =	sld [smem:$0x3FAD]  }
0x2b: {  	s6 =	sld [smem:$0x3FAE]  }
0x2c: {  	s7 =	sld [smem:$0x3FAF]  }
0x2d: {  	s3 =	simm.s32 $0x108;
	s8 =	sld [smem:$0x3FB0]  }
0x2e: {  	s3 =	simm.s32 @!p0 $0x1082;
	s9 =	sld [smem:$0x3FB1]  }
0x2f: {  	lr =	sadd.s32 s0, s3;
	s0 =	sld [smem:$0x3FA8]  }
0x30: {  	s3 =	sld [smem:$0x3FAB]  }
0x31: {  	[smem:$0x3FB4] =	sst s10  }
0x32: {  	s10 =	sld [smem:$0x3FB2];
	_ =	sdelay $0x3  }
0x33: {  	p0 =	seq.s32 s10, $0x1;
	s10 =	sld [smem:$0x3FB4];
	_ =	sdelay $0x3  }
0x34: {  	[smem:$0x3FB4] =	sst s10  }
0x35: {  	s10 =	sld [smem:$0x3FB3];
	_ =	sdelay $0x3  }
0x36: {  	p1 =	seq.s32 s10, $0x1;
	s10 =	sld [smem:$0x3FB4];
	_ =	sdelay $0x3  }
0x37: {  	[smem:$0x3FB4] =	sst s10  }
0x38: {  	s10 =	sld [smem:$0x3FB5]  }
0x39: {  	_ = 	snop;
	(pc) =	sbr.ind lr, $3  }
0x3a: {  	_ = 	snop  }
0x3b: {  	_ = 	snop  }
0x3c: {  	p2 =	seq.s32 s10, $0x1;
	s10 =	sld [smem:$0x3FB4]  }
0x3d: {  	_ =	shalt  }
0x3e: {  	_ =	shalt  }
0x3f: {  	_ =	shalt  }
0x40: {  	_ =	shalt  }
0x41: {  	_ =	shalt  }
0x42: {  	_ =	shalt  }
0x43: {  	_ =	shalt  }
0x44: {  	_ =	shalt  }
0x45: {  	_ =	shalt  }
0x46: {  	_ =	shalt  }
0x47: {  	_ =	shalt  }
0x48: {  	_ =	shalt  }
0x49: {  	_ =	shalt  }
0x4a: {  	_ =	shalt  }
0x4b: {  	_ =	shalt  }
0x4c: {  	_ =	shalt  }
0x4d: {  	_ =	shalt  }
0x4e: {  	_ =	shalt  }
0x4f: {  	_ =	shalt  }
0x50: {  	_ =	shalt  }
0x51: {  	_ =	shalt  }
0x52: {  	_ =	shalt  }
0x53: {  	_ =	shalt  }
0x54: {  	_ =	shalt  }
0x55: {  	_ =	shalt  }
0x56: {  	_ =	shalt  }
0x57: {  	_ =	shalt  }
0x58: {  	_ =	shalt  }
0x59: {  	_ =	shalt  }
0x5a: {  	_ =	shalt  }
0x5b: {  	_ =	shalt  }
0x5c: {  	_ =	shalt  }
0x5d: {  	_ =	shalt  }
0x5e: {  	_ =	shalt  }
0x5f: {  	_ =	shalt  }
0x60: {  	_ =	shalt  }
0x61: {  	_ =	shalt  }
0x62: {  	_ =	shalt  }
0x63: {  	_ =	shalt  }
0x64: {  	_ =	shalt  }
0x65: {  	_ =	shalt  }
0x66: {  	_ =	shalt  }
0x67: {  	_ =	shalt  }
0x68: {  	_ =	shalt  }
0x69: {  	_ =	shalt  }
0x6a: {  	_ =	shalt  }
0x6b: {  	_ =	shalt  }
0x6c: {  	_ =	shalt  }
0x6d: {  	_ =	shalt  }
0x6e: {  	_ =	shalt  }
0x6f: {  	_ =	shalt  }
0x70: {  	_ =	shalt  }
0x71: {  	_ =	shalt  }
0x72: {  	_ =	shalt  }
0x73: {  	_ =	shalt  }
0x74: {  	_ =	shalt  }
0x75: {  	_ =	shalt  }
0x76: {  	_ =	shalt  }
0x77: {  	_ =	shalt  }
0x78: {  	_ =	shalt  }
0x79: {  	_ =	shalt  }
0x7a: {  	_ =	shalt  }
0x7b: {  	_ =	shalt  }
0x7c: {  	_ =	shalt  }
0x7d: {  	_ =	shalt  }
0x7e: {  	_ =	shalt  }
0x7f: {  	_ =	shalt  }
0x80: {  	_ =	shalt  }
0x81: {  	_ =	shalt  }
0x82: {  	_ =	shalt  }
0x83: {  	_ =	shalt  }
0x84: {  	_ =	shalt  }
0x85: {  	_ =	shalt  }
0x86: {  	_ =	shalt  }
0x87: {  	_ =	shalt  }
.Lfunc_end0:
.L_simem_size_0:
called_computation.2_lowered:
.L_overlay_start_0:
0x88: {  	s2 =	sld [smem:$0x3FD9]  }
0x89: {  	s3 =	sld [smem:$0x3FFE];
	_ =	sdelay $0x1  }
0x8a: {  	s1 =	srdreg.scid  }
0x8b: {  	s0 =	sand.u32 $0x1, s1  }
0x8c: {  	s16 =	sshll.u32 s0, $0xA;
	s2 =	sadd.s32 s3, s2  }
0x8d: {  	s2 =	sadd.s32 s2, s16  }
0x8e: {  	[smem:$0x3FC0] =	sst s2  }
0x8f: {  	_ = 	snop  }
0x90: {  	(tm) =	ssettm $0x1  }
0x91: {  	s17 =	sld [smem:$0x3FFB];
	_ =	sdelay $0x3  }
0x92: {  	_ =	strace s17  }
0x93: {  	s2 =	sld [smem:$0x3FFC];
	_ =	sdelay $0x3  }
0x94: {  	_ =	strace s2  }
0x95: {  	s2 =	sld [smem:$0x3FFD];
	_ =	sdelay $0x3  }
0x96: {  	_ =	strace s2  }
0x97: {  	_ =	strace $0x8FFFFFFF  }
0x98: {  	s18 =	sld [smem:$0x3FDB];
	_ =	sdelay $0x1  }
0x99: {  	s19 =	simm.s32 $_scs_section_size  }
0x9a: {  	s4 =	simm.s32 $_size__tile_overlayer_lowered;
	s5 =	simm.s32 $_tile_overlayer_lowered  }
0x9b: {  	s22 =	simm.s32 $0x1BFF;
	s21 =	sshll.u32 s5, $0x1;
	s2 =	sadd.s32 s19, s18  }
0x9c: {  	s6 =	simm.s32 $0x0;
	s20 =	sshll.u32 s4, $0x1;
	s4 =	sadd.s32 s21, s2  }
0x9d: {  	[timem:s6], [sflag:s22] =	dma.local [hbm:s4], s20  }
0x9e: {  	_ =	swait.ge [sflag:s22], s20  }
0x9f: {  	s3 =	ssub.s32 $0x0, s20;
	[sflag:s22] =	ssyncset.done $0x0  }
0xa0: {  	[sflag:s22] =	ssyncadd.s32 s3;
	_ =	sdelay $0x1  }
0xa1: {  	s23 =	simm.s32 $0x1B8B  }
0xa2: {  	_ =	swait.ge [sflag:s23], $0x1  }
0xa3: {  	[sflag:s23] =	ssyncset.done $0x0  }
0xa4: {  	s25 =	simm.s32 $0x1B8E;
	s24 =	sld [smem:$0x3FFE];
	[sflag:s23] =	ssyncadd.s32 $0xFFFFFFFF  }
0xa5: {  	s26 =	simm.s32 $execute0_lowered;
	[smem:$0x3FD2] =	sst s25  }
0xa6: {  	s4 =	sshll.u32 s26, $0x1;
	_ =	strace $0x8000004C;
	[dreg:$0x1] =	wrdreg $0xFFFFFFFF  }
0xa7: {  	s28 =	simm.s32 $_size_execute0_lowered;
	s2 =	sadd.s32 s2, s4;
	[dreg:$0x0] =	wrdreg $0x0  }
0xa8: {  	s4 =	sshll.u32 s28, $0x1;
	[dreg:$0x2] =	wrdreg s2  }
0xa9: {  	[dreg:$0x3] =	wrdreg s4  }
0xaa: {  	[dreg:$0x4] =	wrdreg $0xC0  }
0xab: {  	_ =	task [dreg:s6], $0x5FFFF  }
0xac: {  	[dreg:$0x1] =	wrdreg $0xFFFFFFFF  }
0xad: {  	[dreg:$0x0] =	wrdreg $0x60  }
0xae: {  	[dreg:$0x2] =	wrdreg s24  }
0xaf: {  	[dreg:$0x3] =	wrdreg $0x90000  }
0xb0: {  	[dreg:$0x4] =	wrdreg $0x9  }
0xb1: {  	_ =	task.clear_ibuf [dreg:s6], $0x5FFFF;
	_ =	strace $0x9000004C  }
0xb2: {  	s29 =	simm.s32 $0x9;
	_ =	strace $0x8000004E  }
0xb3: {  	_ =	swait.ge [sflag:s29], $0x1  }
0xb4: {  	[sflag:s29] =	ssyncadd.s32 $0xFFFFFFFF  }
0xb5: {  	_ =	strace $0x9000004E  }
0xb6: {  	_ =	sfence  }
0xb7: {  	s30 =	sld [smem:$0x0];
	_ =	sdelay $0x2  }
0xb8: {  	s31 =	sshll.u32 s1, $0xD;
	s1 =	sshrl.u32 s1, $0x2  }
0xb9: {  	s3 =	sand.u32 $0x4000, s31;
	s1 =	sadd.s32 s1, s30  }
0xba: {  	s0 =	sor.u32 s3, s0;
	s1 =	sshll.u32 s1, $0x11  }
0xbb: {  	s0 =	sor.u32 s1, s0  }
0xbc: {  	s0 =	sadd.s32 $0x8F2B, s0  }
0xbd: {  	[sflag:s0] =	ssyncadd.remote.s32 $0x1  }
0xbe: {  	_ =	sfence.sel $0xFFFF  }
0xbf: {  	[dreg:$0x0] =	wrdreg $0xFFFFFFFF;
	(pc) =	sbr.abs _section_cstart, $3  }
0xc0: {  	[dreg:$0x1] =	wrdreg $0xFFFFFFFF  }
0xc1: {  	_ =	task.clear_ibuf [dreg:s6], $0x2FFFF;
	_ =	strace $0x9FFFFFFF  }
0xc2: {  	(tm) =	ssettm $0x7FFFFFFF  }
0xc3: {  	_ =	shalt  }
tec
execute0_lowered:
.L_overlay_start_1:
0x0: {  	(tag) =	ssettag $0x1  }
0x1: {  	s0 =	srdreg.scid;
	s6 =	rddreg [dreg:$0x0]  }
0x2: {  	s2 =	rddreg [dreg:$0x1];
	s5 =	sand.u32 $0x1, s0;
	s0 =	stileid.u32  }
0x3: {  	s3 =	simm.s32 $0x0;
	s14 =	simm.s32 $0x80;
	s8 =	smul.u32 $0x2800, s0  }
0x4: {  	s15 =	simm.s32 $0x5000;
	s16 =	simm.s32 $0x0;
	s9 =	smul.u32 $0x28000, s5  }
0x5: {  	[smem:$0x7FF] =	sst s3;
	s1 =	sshll.u32 s5, $0x4;
	s29 =	smul.u32 $0x50000, s0  }
0x6: {  	s5 =	ssub.s32 $0x2, s5;
	s31 =	sshll.u32 s0, $0x6;
	s4 =	sor.u32 s0, s1  }
0x7: {  	s1 =	rddreg [dreg:$0x2];
	_ =	strace $0x8000004D;
	s30 =	sshrl.u32 s5, $0x1  }
0x8: {  	s7 =	smul.u32 $0x500, s4;
	s11 =	sadd.s32 s8, s6;
	s8 =	sadd.s32 s8, s9  }
0x9: {  	s4 =	sadd.s32 $0x34A00, s6;
	s12 =	ssub.s32 s5, s30;
	s9 =	sadd.s32 s8, s6  }
0xa: {  	s5 =	sadd.s32 $0xCA00, s11;
	s10 =	sadd.s32 s7, s6;
	s7 =	sshrl.u32 s29, $0x2  }
0xb: {  	s6 =	sor.u32 $0x1C01, s31;
	s9 =	sadd.s32 $0x8F200, s9;
	s13 =	sadd.s32 s7, s2  }
0xc: {  	s7 =	sadd.s32 $0x85200, s10;
	s8 =	sadd.s32 $0x2A00, s10;
	s10 =	smax.u32 s12, $0x1  }
0xd: {  	s12 =	simm.s32 $0x1;
	s11 =	sshrl.u32 s13, $0x3;
	s13 =	simm.s32 $0x2800  }
.LBB2_1:
0xe: {  	[spmem:s11], [sflag:s6] =	dma.local [hbm:s5], $0x2800  }
0xf: {  	_ =	swait.ge [sflag:s12], $0x2800  }
0x10: {  	[sflag:s12] =	ssyncset.done $0x0  }
0x11: {  	[sflag:s12] =	ssyncadd.s32 $0xFFFFD800  }
0x12: {  	[tilespmem:s3], [sflag:$0x1] =	stream.linear.gather [hbm4b:s7+s3], $0x2780, $0x38;
	[tilespmem:$0x1D000] =	vst v63  }
0x13: {  	_ =	swait.ge [sflag:s12], $0x2780  }
0x14: {  	[sflag:s12] =	ssyncset.done $0x0  }
0x15: {  	[sflag:s12] =	ssyncadd.s32 $0xFFFFD880  }
0x16: {  	[tilespmem:s13], [sflag:$0x1] =	stream.linear.gather [hbm4b:s8+s3], $0x2780, $0x38;
	[tilespmem:$0x1D000] =	vst v63  }
0x17: {  	_ =	swait.ge [sflag:s12], $0x2780  }
0x18: {  	[sflag:s12] =	ssyncset.done $0x0  }
0x19: {  	[sflag:s12] =	ssyncadd.s32 $0xFFFFD880  }
0x1a: {  	s17 =	simm.s32 $0x0;
	[bflag:$0x0] =	sbarrier.arrive $0xFFFF  }
0x1b: {  	[tilespmem:s15], [sflag:$0x1] =	stream.indirect.gather [hbm4b:s4+s14], $0x80, s17, s14, $0xb8;
	[tilespmem:$0x1D000] =	vst v63  }
0x1c: {  	_ =	swait.ge [sflag:s12], $0x4000  }
0x1d: {  	[sflag:s12] =	ssyncset.done $0x0  }
0x1e: {  	s31 =	simm.s32 $0x2800;
	[sflag:s12] =	ssyncadd.s32 $0xFFFFC000  }
0x1f: {  	[spmem:s2] =	stream.indirect.scatter.add.f32 [tilespmem:s15], [sflag:$0x1], $0x80, s31, s14, $0xb8;
	[tilespmem:$0x1D000] =	vst v63  }
0x20: {  	_ =	swait.ge [sflag:s12], $0x4000  }
0x21: {  	s18 =	simm.s32 $0x400;
	s17 =	simm.s32 $0x200;
	[sflag:s12] =	ssyncset.done $0x0  }
.LBB2_2:
0x22: {  	s19 =	sshra.s32 s17, $0x2  }
0x23: {  	[sflag:s12] =	ssyncadd.s32 $0xFFFFC000;
	s17 =	smov.u32 s18;
	s20 =	sadd.s32 $0x200, s18  }
0x24: {  	[tilespmem:s15], [sflag:$0x1] =	stream.indirect.gather [hbm4b:s4+s14], $0x80, s19, s14, $0xb8;
	[tilespmem:$0x1D000] =	vst v63  }
0x25: {  	p0 =	sne.s32 s18, $0x9C00;
	_ =	swait.ge [sflag:s12], $0x4000  }
.Ltmp0:
0x26: {  	[sflag:s12] =	ssyncset.done $0x0;
	(pc) =	sbr.rel @p0 .LBB2_2-.Ltmp0, $4  }
0x27: {  	s18 =	sadd.s32 $0x2800, s19;
	[sflag:s12] =	ssyncadd.s32 $0xFFFFC000  }
0x28: {  	[spmem:s2] =	stream.indirect.scatter.add.f32 [tilespmem:s15], [sflag:$0x1], $0x80, s18, s14, $0xb8;
	[tilespmem:$0x1D000] =	vst v63  }
0x29: {  	_ =	swait.ge [sflag:s12], $0x4000  }
0x2a: {  	s18 =	smov.u32 s20;
	[sflag:s12] =	ssyncset.done $0x0  }
0x2b: {  	s17 =	sshra.s32 s17, $0x2;
	[sflag:s12] =	ssyncadd.s32 $0xFFFFC000  }
0x2c: {  	[tilespmem:s15], [sflag:$0x1] =	stream.indirect.gather [hbm4b:s4+s14], $0x80, s17, s14, $0xb8;
	[tilespmem:$0x1D000] =	vst v63  }
0x2d: {  	_ =	swait.ge [sflag:s12], $0x4000  }
0x2e: {  	[sflag:s12] =	ssyncset.done $0x0  }
0x2f: {  	s17 =	sadd.s32 $0x2800, s17;
	[sflag:s12] =	ssyncadd.s32 $0xFFFFC000  }
0x30: {  	[spmem:s2] =	stream.indirect.scatter.add.f32 [tilespmem:s15], [sflag:$0x1], $0x80, s17, s14, $0xb8;
	[tilespmem:$0x1D000] =	vst v63  }
0x31: {  	_ =	swait.ge [sflag:s12], $0x4000  }
0x32: {  	s16 =	sadd.s32 $0x1, s16;
	[sflag:s12] =	ssyncset.done $0x0  }
0x33: {  	p0 =	sne.s32 s16, s10;
	[sflag:s12] =	ssyncadd.s32 $0xFFFFC000  }
.Ltmp1:
0x34: {  	[bflag:$0x0] =	sbarrier.arrive $0xFFFF;
	(pc) =	sbr.rel @p0 .LBB2_1-.Ltmp1, $4  }
0x35: {  	[hbm:s9], [sflag:s6] =	dma.local [spmem:s11], $0x2800  }
0x36: {  	_ =	swait.ge [sflag:s12], $0x2800  }
0x37: {  	[sflag:s12] =	ssyncset.done $0x0  }
0x38: {  	[sflag:s12] =	ssyncadd.s32 $0xFFFFD800  }
0x39: {  	_ =	sfence.sel $0x180000  }
0x3a: {  	[bflag:$0x0] =	sbarrier.arrive $0xFFFF  }
0x3b: {  	p0 =	sne.s32 s0, $0x0;
	_ =	strace $0x9000004D  }
0x3c: {  	s0 =	sadd.s32 @!p0 $0x100000, s1;
	[bflag:$0x2] =	sbarrier.arrive $0xFFFF  }
0x3d: {  	[sflag:s0] =	ssyncadd.tile.s32 @!p0 $0x1;
	_ =	shalt  }
.Lfunc_end2:
_tile_overlayer_lowered:
.L_overlay_start_2:
0x3e: {  	(tag) =	ssettag $0x2  }
0x3f: {  	s0 =	rddreg [dreg:$0x0];
	s2 =	stileid.u32  }
0x40: {  	s1 =	rddreg [dreg:$0x1];
	p0 =	sne.s32 s2, $0x0  }
0x41: {  	s3 =	rddreg [dreg:$0x2];
	[bflag:$0x3] =	sbarrier.arrive $0xFFFF;
	s2 =	simm.s32 @!p0 $0x1C01  }
0x42: {  	[timem:s3], [sflag:s2] =	dma.local @!p0 [hbm:s0], s1  }
0x43: {  	s0 =	simm.s32 @!p0 $0x1  }
0x44: {  	_ =	swait.ge @!p0 [sflag:s0], s1  }
0x45: {  	s1 =	ssub.s32 @!p0 $0x0, s1;
	[sflag:s0] =	ssyncset.done @!p0 $0x0  }
0x46: {  	[sflag:s0] =	ssyncadd.s32 @!p0 s1  }
0x47: {  	[bflag:$0x3] =	sbarrier.arrive $0xFFFF  }
0x48: {  	_ =	shalt  }

// kernel: kernel.9.cloned.1.call-start
scs
__scs_entry_jumppad:
0x0: {  	(pc) =	sbr.rel $0x88, $3  }
0x1: {  	(tag) =	ssettag $0x0;
	lr =	simm.s32 $0x1  }
0x2: {  	[smem:$0x3F99] =	sst lr;
	_ =	strace $0xD0000000  }
0x3: {  	_ = 	snop  }
0x4: {  	_ = 	snop  }
0x5: {  	_ = 	snop  }
0x6: {  	_ = 	snop  }
0x7: {  	_ = 	snop  }
__scs_overlays_trampoline_lowered:
0x8: {  	[smem:$0x3FA8] =	sst s0  }
0x9: {  	[smem:$0x3FA9] =	sst s1  }
0xa: {  	[smem:$0x3FAA] =	sst s2  }
0xb: {  	[smem:$0x3FAB] =	sst s3  }
0xc: {  	[smem:$0x3FAC] =	sst s4  }
0xd: {  	[smem:$0x3FAD] =	sst s5  }
0xe: {  	[smem:$0x3FAE] =	sst s6  }
0xf: {  	[smem:$0x3FAF] =	sst s7  }
0x10: {  	[smem:$0x3FB0] =	sst s8  }
0x11: {  	[smem:$0x3FB1] =	sst s9;
	s0 =	simm.s32 @!p0 $0x0  }
0x12: {  	s1 =	sld [smem:$0x3F97];
	s0 =	simm.s32 @p0 $0x1  }
0x13: {  	[smem:$0x3FB2] =	sst s0;
	s0 =	simm.s32 @!p1 $0x0  }
0x14: {  	s2 =	sld [smem:$0x3F96];
	s0 =	simm.s32 @p1 $0x1  }
0x15: {  	[smem:$0x3FB3] =	sst s0;
	s0 =	simm.s32 @!p2 $0x0  }
0x16: {  	s3 =	sld [smem:$0x3FDB];
	s0 =	simm.s32 @p2 $0x1  }
0x17: {  	s4 =	simm.s32 $0x1BF5;
	[smem:$0x3FB5] =	sst s0  }
0x18: {  	s0 =	sld [smem:$0x3F98];
	_ =	swait.ge [sflag:s4], $0x0  }
0x19: {  	s7 =	sld [smem:$0x3F99]  }
0x1a: {  	s8 =	sadd.s32 $0xFFFFE003, lr  }
0x1b: {  	s9 =	sadd.s32 $0xFFFFFEF7, lr;
	s5 =	simm.s32 $0xFFFFFFFF;
	p2 =	slt.u32 s8, $0xFFFFF086  }
0x1c: {  	p1 =	slt.u32 s9, $0xF7A;
	s5 =	simm.s32 @!p2 $0x0  }
0x1d: {  	s5 =	simm.s32 @p1 $0x1;
	p0 =	seq.s32 s7, s2  }
0x1e: {  	s7 =	smul.u32 @!p0 $0xF7A, s2;
	p2 =	seq.s32 @!p0 s5, $0x0  }
0x1f: {  	s9 =	smul.u32 $0xF7A, s1;
	s8 =	simm.s32 @!p0 $0x1BF5;
	p2 =	por !p2, p0  }
0x20: {  	[sflag:s8] =	ssyncset.s32 @!p0 $0xFFFFF086;
	s6 =	sadd.s32 @!p0 s3, s7;
	s7 =	simm.s32 @!p0 $0x108  }
0x21: {  	s3 =	sadd.s32 s3, s9;
	s6 =	sadd.s32 @!p0 $0x88, s6;
	s7 =	simm.s32 @p2 $0x1082  }
0x22: {  	[simem:s7], [sflag:s8] =	dma.local @!p0 [hbm:s6], $0xF7A  }
0x23: {  	s9 =	sor.u32 $0xD0000000, s2;
	s6 =	simm.s32 $0x108;
	_ =	swait.ge @!p0 [sflag:s8], $0x0  }
0x24: {  	s3 =	sadd.s32 $0x88, s3;
	s6 =	simm.s32 @!p1 $0x1082;
	[sflag:s4] =	ssyncset.s32 $0xFFFFF086  }
0x25: {  	[simem:s6], [sflag:s4] =	dma.local [hbm:s3], $0xF7A  }
0x26: {  	[smem:$0x3F99] =	sst s1;
	(tag) =	ssettag s2;
	_ =	strace s9  }
0x27: {  	s1 =	sld [smem:$0x3FA9]  }
0x28: {  	s2 =	sld [smem:$0x3FAA]  }
0x29: {  	s4 =	sld [smem:$0x3FAC]  }
0x2a: {  	p0 =	seq.s32 s5, $0x0;
	s5 =	sld [smem:$0x3FAD]  }
0x2b: {  	s6 =	sld [smem:$0x3FAE]  }
0x2c: {  	s7 =	sld [smem:$0x3FAF]  }
0x2d: {  	s3 =	simm.s32 $0x108;
	s8 =	sld [smem:$0x3FB0]  }
0x2e: {  	s3 =	simm.s32 @!p0 $0x1082;
	s9 =	sld [smem:$0x3FB1]  }
0x2f: {  	lr =	sadd.s32 s0, s3;
	s0 =	sld [smem:$0x3FA8]  }
0x30: {  	s3 =	sld [smem:$0x3FAB]  }
0x31: {  	[smem:$0x3FB4] =	sst s10  }
0x32: {  	s10 =	sld [smem:$0x3FB2];
	_ =	sdelay $0x3  }
0x33: {  	p0 =	seq.s32 s10, $0x1;
	s10 =	sld [smem:$0x3FB4];
	_ =	sdelay $0x3  }
0x34: {  	[smem:$0x3FB4] =	sst s10  }
0x35: {  	s10 =	sld [smem:$0x3FB3];
	_ =	sdelay $0x3  }
0x36: {  	p1 =	seq.s32 s10, $0x1;
	s10 =	sld [smem:$0x3FB4];
	_ =	sdelay $0x3  }
0x37: {  	[smem:$0x3FB4] =	sst s10  }
0x38: {  	s10 =	sld [smem:$0x3FB5]  }
0x39: {  	_ = 	snop;
	(pc) =	sbr.ind lr, $3  }
0x3a: {  	_ = 	snop  }
0x3b: {  	_ = 	snop  }
0x3c: {  	p2 =	seq.s32 s10, $0x1;
	s10 =	sld [smem:$0x3FB4]  }
0x3d: {  	_ =	shalt  }
0x3e: {  	_ =	shalt  }
0x3f: {  	_ =	shalt  }
0x40: {  	_ =	shalt  }
0x41: {  	_ =	shalt  }
0x42: {  	_ =	shalt  }
0x43: {  	_ =	shalt  }
0x44: {  	_ =	shalt  }
0x45: {  	_ =	shalt  }
0x46: {  	_ =	shalt  }
0x47: {  	_ =	shalt  }
0x48: {  	_ =	shalt  }
0x49: {  	_ =	shalt  }
0x4a: {  	_ =	shalt  }
0x4b: {  	_ =	shalt  }
0x4c: {  	_ =	shalt  }
0x4d: {  	_ =	shalt  }
0x4e: {  	_ =	shalt  }
0x4f: {  	_ =	shalt  }
0x50: {  	_ =	shalt  }
0x51: {  	_ =	shalt  }
0x52: {  	_ =	shalt  }
0x53: {  	_ =	shalt  }
0x54: {  	_ =	shalt  }
0x55: {  	_ =	shalt  }
0x56: {  	_ =	shalt  }
0x57: {  	_ =	shalt  }
0x58: {  	_ =	shalt  }
0x59: {  	_ =	shalt  }
0x5a: {  	_ =	shalt  }
0x5b: {  	_ =	shalt  }
0x5c: {  	_ =	shalt  }
0x5d: {  	_ =	shalt  }
0x5e: {  	_ =	shalt  }
0x5f: {  	_ =	shalt  }
0x60: {  	_ =	shalt  }
0x61: {  	_ =	shalt  }
0x62: {  	_ =	shalt  }
0x63: {  	_ =	shalt  }
0x64: {  	_ =	shalt  }
0x65: {  	_ =	shalt  }
0x66: {  	_ =	shalt  }
0x67: {  	_ =	shalt  }
0x68: {  	_ =	shalt  }
0x69: {  	_ =	shalt  }
0x6a: {  	_ =	shalt  }
0x6b: {  	_ =	shalt  }
0x6c: {  	_ =	shalt  }
0x6d: {  	_ =	shalt  }
0x6e: {  	_ =	shalt  }
0x6f: {  	_ =	shalt  }
0x70: {  	_ =	shalt  }
0x71: {  	_ =	shalt  }
0x72: {  	_ =	shalt  }
0x73: {  	_ =	shalt  }
0x74: {  	_ =	shalt  }
0x75: {  	_ =	shalt  }
0x76: {  	_ =	shalt  }
0x77: {  	_ =	shalt  }
0x78: {  	_ =	shalt  }
0x79: {  	_ =	shalt  }
0x7a: {  	_ =	shalt  }
0x7b: {  	_ =	shalt  }
0x7c: {  	_ =	shalt  }
0x7d: {  	_ =	shalt  }
0x7e: {  	_ =	shalt  }
0x7f: {  	_ =	shalt  }
0x80: {  	_ =	shalt  }
0x81: {  	_ =	shalt  }
0x82: {  	_ =	shalt  }
0x83: {  	_ =	shalt  }
0x84: {  	_ =	shalt  }
0x85: {  	_ =	shalt  }
0x86: {  	_ =	shalt  }
0x87: {  	_ =	shalt  }
.Lfunc_end0:
.L_simem_size_0:
called_computation_lowered:
.L_overlay_start_0:
0x88: {  	s2 =	sld [smem:$0x3FD9]  }
0x89: {  	s3 =	sld [smem:$0x3FFE];
	_ =	sdelay $0x1  }
0x8a: {  	s1 =	srdreg.scid  }
0x8b: {  	s0 =	sand.u32 $0x1, s1  }
0x8c: {  	s16 =	sshll.u32 s0, $0xA;
	s2 =	sadd.s32 s3, s2  }
0x8d: {  	s2 =	sadd.s32 s2, s16  }
0x8e: {  	[smem:$0x3FC0] =	sst s2  }
0x8f: {  	_ = 	snop  }
0x90: {  	(tm) =	ssettm $0x1  }
0x91: {  	s17 =	sld [smem:$0x3FFB];
	_ =	sdelay $0x3  }
0x92: {  	_ =	strace s17  }
0x93: {  	s2 =	sld [smem:$0x3FFC];
	_ =	sdelay $0x3  }
0x94: {  	_ =	strace s2  }
0x95: {  	s2 =	sld [smem:$0x3FFD];
	_ =	sdelay $0x3  }
0x96: {  	_ =	strace s2  }
0x97: {  	_ =	strace $0x8FFFFFFF  }
0x98: {  	s18 =	sld [smem:$0x3FDB];
	_ =	sdelay $0x1  }
0x99: {  	s19 =	simm.s32 $_scs_section_size  }
0x9a: {  	s4 =	simm.s32 $_size__tile_overlayer_lowered;
	s5 =	simm.s32 $_tile_overlayer_lowered  }
0x9b: {  	s22 =	simm.s32 $0x1BFF;
	s21 =	sshll.u32 s5, $0x1;
	s2 =	sadd.s32 s19, s18  }
0x9c: {  	s6 =	simm.s32 $0x0;
	s20 =	sshll.u32 s4, $0x1;
	s4 =	sadd.s32 s21, s2  }
0x9d: {  	[timem:s6], [sflag:s22] =	dma.local [hbm:s4], s20  }
0x9e: {  	_ =	swait.ge [sflag:s22], s20  }
0x9f: {  	s3 =	ssub.s32 $0x0, s20;
	[sflag:s22] =	ssyncset.done $0x0  }
0xa0: {  	[sflag:s22] =	ssyncadd.s32 s3;
	_ =	sdelay $0x1  }
0xa1: {  	s23 =	simm.s32 $0x1B8B  }
0xa2: {  	_ =	swait.ge [sflag:s23], $0x1  }
0xa3: {  	[sflag:s23] =	ssyncset.done $0x0  }
0xa4: {  	s25 =	simm.s32 $0x1B8E;
	s24 =	sld [smem:$0x3FFE];
	[sflag:s23] =	ssyncadd.s32 $0xFFFFFFFF  }
0xa5: {  	s26 =	simm.s32 $execute0_lowered;
	[smem:$0x3FD2] =	sst s25  }
0xa6: {  	s4 =	sshll.u32 s26, $0x1;
	_ =	strace $0x80000046;
	[dreg:$0x1] =	wrdreg $0xFFFFFFFF  }
0xa7: {  	s28 =	simm.s32 $_size_execute0_lowered;
	s2 =	sadd.s32 s2, s4;
	[dreg:$0x0] =	wrdreg $0x0  }
0xa8: {  	s4 =	sshll.u32 s28, $0x1;
	[dreg:$0x2] =	wrdreg s2  }
0xa9: {  	[dreg:$0x3] =	wrdreg s4  }
0xaa: {  	[dreg:$0x4] =	wrdreg $0xC0  }
0xab: {  	_ =	task [dreg:s6], $0x5FFFF  }
0xac: {  	[dreg:$0x1] =	wrdreg $0xFFFFFFFF  }
0xad: {  	[dreg:$0x0] =	wrdreg $0x60  }
0xae: {  	[dreg:$0x2] =	wrdreg s24  }
0xaf: {  	[dreg:$0x3] =	wrdreg $0x68000  }
0xb0: {  	[dreg:$0x4] =	wrdreg $0x9  }
0xb1: {  	_ =	task.clear_ibuf [dreg:s6], $0x5FFFF;
	_ =	strace $0x90000046  }
0xb2: {  	s29 =	simm.s32 $0x9;
	_ =	strace $0x80000048  }
0xb3: {  	_ =	swait.ge [sflag:s29], $0x1  }
0xb4: {  	[sflag:s29] =	ssyncadd.s32 $0xFFFFFFFF  }
0xb5: {  	_ =	strace $0x90000048  }
0xb6: {  	_ =	sfence  }
0xb7: {  	s30 =	sld [smem:$0x0];
	_ =	sdelay $0x2  }
0xb8: {  	s31 =	sshll.u32 s1, $0xD;
	s1 =	sshrl.u32 s1, $0x2  }
0xb9: {  	s3 =	sand.u32 $0x4000, s31;
	s1 =	sadd.s32 s1, s30  }
0xba: {  	s0 =	sor.u32 s3, s0;
	s1 =	sshll.u32 s1, $0x11  }
0xbb: {  	s0 =	sor.u32 s1, s0  }
0xbc: {  	s0 =	sadd.s32 $0x8F2B, s0  }
0xbd: {  	[sflag:s0] =	ssyncadd.remote.s32 $0x1  }
0xbe: {  	_ =	sfence.sel $0xFFFF  }
0xbf: {  	[dreg:$0x0] =	wrdreg $0xFFFFFFFF;
	(pc) =	sbr.abs _section_cstart, $3  }
0xc0: {  	[dreg:$0x1] =	wrdreg $0xFFFFFFFF  }
0xc1: {  	_ =	task.clear_ibuf [dreg:s6], $0x2FFFF;
	_ =	strace $0x9FFFFFFF  }
0xc2: {  	(tm) =	ssettm $0x7FFFFFFF  }
0xc3: {  	_ =	shalt  }
tec
execute0_lowered:
.L_overlay_start_1:
0x0: {  	(tag) =	ssettag $0x1  }
0x1: {  	s5 =	rddreg [dreg:$0x0]  }
0x2: {  	s0 =	srdreg.scid;
	s2 =	rddreg [dreg:$0x1]  }
0x3: {  	s3 =	simm.s32 $0x0;
	s4 =	sand.u32 $0x1, s0;
	s0 =	stileid.u32  }
0x4: {  	s13 =	simm.s32 $0x80;
	s14 =	simm.s32 $0x0;
	s7 =	smul.u32 $0x2800, s0  }
0x5: {  	[smem:$0x7FF] =	sst s3;
	s1 =	sshll.u32 s4, $0x4;
	s28 =	smul.u32 $0x28000, s4  }
0x6: {  	s10 =	ssub.s32 $0x2, s4;
	s11 =	smul.u32 $0x50000, s0;
	s4 =	sadd.s32 $0x34A00, s5  }
0x7: {  	s31 =	sshll.u32 s0, $0x6;
	s6 =	sor.u32 s0, s1;
	s1 =	rddreg [dreg:$0x2]  }
0x8: {  	_ =	strace $0x80000047;
	s29 =	sshrl.u32 s10, $0x1;
	s6 =	smul.u32 $0x500, s6  }
0x9: {  	s9 =	sadd.s32 s7, s5;
	s10 =	ssub.s32 s10, s29;
	s30 =	sshrl.u32 s11, $0x2  }
0xa: {  	s11 =	sadd.s32 s30, s2;
	s8 =	sadd.s32 s6, s5;
	s6 =	sadd.s32 s7, s28  }
0xb: {  	s12 =	sadd.s32 s6, s5;
	s5 =	sadd.s32 $0xCA00, s9;
	s6 =	sor.u32 $0x1C01, s31  }
0xc: {  	s7 =	sadd.s32 $0x2A00, s8;
	s9 =	smax.u32 s10, $0x1;
	s10 =	sshrl.u32 s11, $0x3  }
0xd: {  	s11 =	simm.s32 $0x1;
	s8 =	sadd.s32 $0x35200, s12;
	s12 =	simm.s32 $0x2800  }
.LBB2_1:
0xe: {  	[spmem:s10], [sflag:s6] =	dma.local [hbm:s5], $0x2800  }
0xf: {  	_ =	swait.ge [sflag:s11], $0x2800  }
0x10: {  	[sflag:s11] =	ssyncset.done $0x0  }
0x11: {  	[sflag:s11] =	ssyncadd.s32 $0xFFFFD800  }
0x12: {  	[tilespmem:s12], [sflag:$0x1] =	stream.linear.gather [hbm4b:s4+s3], $0x4000, $0x38;
	[tilespmem:$0x1A800] =	vst v63  }
0x13: {  	_ =	swait.ge [sflag:s11], $0x4000  }
0x14: {  	[sflag:s11] =	ssyncset.done $0x0  }
0x15: {  	[sflag:s11] =	ssyncadd.s32 $0xFFFFC000  }
0x16: {  	[tilespmem:s3], [sflag:$0x1] =	stream.linear.gather [hbm4b:s7+s3], $0x2780, $0x38;
	[tilespmem:$0x1A800] =	vst v63  }
0x17: {  	_ =	swait.ge [sflag:s11], $0x2780  }
0x18: {  	[sflag:s11] =	ssyncset.done $0x0  }
0x19: {  	[sflag:s11] =	ssyncadd.s32 $0xFFFFD880  }
0x1a: {  	s15 =	simm.s32 $0x0;
	[bflag:$0x0] =	sbarrier.arrive $0xFFFF  }
0x1b: {  	[spmem:s2] =	stream.indirect.scatter.add.f32 [tilespmem:s12], [sflag:$0x1], $0x80, s15, s13, $0xb8;
	[tilespmem:$0x1A800] =	vst v63  }
0x1c: {  	_ =	swait.ge [sflag:s11], $0x4000  }
0x1d: {  	s15 =	simm.s32 $0x200;
	[sflag:s11] =	ssyncset.done $0x0  }
.LBB2_2:
0x1e: {  	s16 =	sshra.s32 s15, $0x2;
	[sflag:s11] =	ssyncadd.s32 $0xFFFFC000;
	p0 =	sne.s32 s15, $0x9C00  }
0x1f: {  	[spmem:s2] =	stream.indirect.scatter.add.f32 [tilespmem:s12], [sflag:$0x1], $0x80, s16, s13, $0xb8;
	[tilespmem:$0x1A800] =	vst v63  }
.Ltmp0:
0x20: {  	_ = 	snop;
	(pc) =	sbr.rel @p0 .LBB2_2-.Ltmp0, $4  }
0x21: {  	_ = 	snop  }
0x22: {  	s15 =	sadd.s32 $0x200, s15  }
0x23: {  	_ =	swait.ge [sflag:s11], $0x4000  }
0x24: {  	[sflag:s11] =	ssyncset.done $0x0  }
0x25: {  	s14 =	sadd.s32 $0x1, s14  }
0x26: {  	[sflag:s11] =	ssyncadd.s32 $0xFFFFC000;
	p0 =	sne.s32 s14, s9  }
.Ltmp1:
0x27: {  	[bflag:$0x0] =	sbarrier.arrive $0xFFFF;
	(pc) =	sbr.rel @p0 .LBB2_1-.Ltmp1, $4  }
0x28: {  	[hbm:s8], [sflag:s6] =	dma.local [spmem:s10], $0x2800  }
0x29: {  	_ =	swait.ge [sflag:s11], $0x2800  }
0x2a: {  	[sflag:s11] =	ssyncset.done $0x0  }
0x2b: {  	[sflag:s11] =	ssyncadd.s32 $0xFFFFD800  }
0x2c: {  	_ =	sfence.sel $0x180000  }
0x2d: {  	[bflag:$0x0] =	sbarrier.arrive $0xFFFF  }
0x2e: {  	p0 =	sne.s32 s0, $0x0;
	_ =	strace $0x90000047  }
0x2f: {  	s0 =	sadd.s32 @!p0 $0x100000, s1;
	[bflag:$0x2] =	sbarrier.arrive $0xFFFF  }
0x30: {  	[sflag:s0] =	ssyncadd.tile.s32 @!p0 $0x1;
	_ =	shalt  }
.Lfunc_end2:
_tile_overlayer_lowered:
.L_overlay_start_2:
0x31: {  	(tag) =	ssettag $0x2  }
0x32: {  	s0 =	rddreg [dreg:$0x0];
	s2 =	stileid.u32  }
0x33: {  	s1 =	rddreg [dreg:$0x1];
	p0 =	sne.s32 s2, $0x0  }
0x34: {  	s3 =	rddreg [dreg:$0x2];
	[bflag:$0x3] =	sbarrier.arrive $0xFFFF;
	s2 =	simm.s32 @!p0 $0x1C01  }
0x35: {  	[timem:s3], [sflag:s2] =	dma.local @!p0 [hbm:s0], s1  }
0x36: {  	s0 =	simm.s32 @!p0 $0x1  }
0x37: {  	_ =	swait.ge @!p0 [sflag:s0], s1  }
0x38: {  	s1 =	ssub.s32 @!p0 $0x0, s1;
	[sflag:s0] =	ssyncset.done @!p0 $0x0  }
0x39: {  	[sflag:s0] =	ssyncadd.s32 @!p0 s1  }
0x3a: {  	[bflag:$0x3] =	sbarrier.arrive $0xFFFF  }
0x3b: {  	_ =	shalt  }

</sc_bundles>
